<compile_context>
chip_gen: v7x
topology: tpu7x:2x2x1
jax: 0.10.2.dev20260603
libtpu: 0.0.44.dev20260713+nightly
codegen_flags: <defaults>
</compile_context>

<pallas_src>
import functools

import jax
import jax.numpy as jnp
from jax import lax
from jax.experimental import pallas as pl
from jax.experimental.pallas import tpu as pltpu
from jax.experimental.pallas import tpu_sc as plsc

SMALL = 1e-08

N_NODES = 10000
DIM = 128
N_TYPES = 4
EDGES_PER_TYPE = 80000

NC = 2
NS = 16
NW = NC * NS
N_EDGES = N_TYPES * EDGES_PER_TYPE
EPW = N_EDGES // NW
CHUNK = 80
ITERS = 125
EPWP = ITERS * CHUNK
TRASH = 10100
N_PAD = 10240
RPS = N_PAD // NS
CG = N_PAD // DIM
CG_PAD = 128

MM_R = 1000
CB_R = 1280


def _mm_body(x_ref, w_ref, b_ref, out_ref):
    y = lax.dot_general(
        x_ref[...], w_ref[0],
        dimension_numbers=(((1,), (1,)), ((), ())),
        preferred_element_type=jnp.float32,
    )
    out_ref[0] = y + b_ref[0]


def _build_table(node_states, w3, b2):
    return pl.pallas_call(
        _mm_body,
        grid=(N_TYPES, N_NODES // MM_R),
        in_specs=[
            pl.BlockSpec((MM_R, DIM), lambda i, nb: (nb, 0)),
            pl.BlockSpec((1, DIM, DIM), lambda i, nb: (i, 0, 0)),
            pl.BlockSpec((1, 1, DIM), lambda i, nb: (i, 0, 0)),
        ],
        out_specs=pl.BlockSpec((1, MM_R, DIM), lambda i, nb: (i, nb, 0)),
        out_shape=jax.ShapeDtypeStruct((N_TYPES, N_NODES, DIM), jnp.float32),
    )(node_states, w3, b2)


def _sc_body(table, gidx_hbm, dst_hbm, zeros_hbm, zerosv_hbm,
             out_msg, out_cnt,
             acc, idx_a, idx_b, idx_c, dst_a, dst_b, dst_c,
             rows_a, rows_b, rows_c, cnt_l,
             sem_ia, sem_ib, sem_ic, sem_a, sem_b, sem_c,
             sem_sa, sem_sb, sem_sc):
    c = lax.axis_index("c")
    s = lax.axis_index("s")
    wid = s * NC + c

    ones16 = jnp.full((16,), 1.0, jnp.float32)
    base0 = pl.multiple_of(wid * EPWP, 8)

    def idx_load(k, idx_v, dst_v, sem):
        base = pl.multiple_of(base0 + k * CHUNK, 8)
        pltpu.make_async_copy(
            gidx_hbm.at[pl.ds(base, CHUNK)], idx_v, sem).start()
        pltpu.make_async_copy(
            dst_hbm.at[pl.ds(base, CHUNK)], dst_v, sem).start()
        pltpu.make_async_copy(
            gidx_hbm.at[pl.ds(base, CHUNK)], idx_v, sem).wait()
        pltpu.make_async_copy(
            dst_hbm.at[pl.ds(base, CHUNK)], dst_v, sem).wait()

    def gather(idx_v, rows, sem):
        return pltpu.make_async_copy(table.at[idx_v], rows, sem)

    def scatter_start(dst_v, rows, sem):
        pltpu.async_copy(rows, acc.at[dst_v], sem, add=True)

    def scatter_wait(dst_v, rows, sem):
        pltpu.make_async_copy(rows, acc.at[dst_v], sem).wait()

    def counts(dst_v):
        for g in range(CHUNK // 16):
            d16 = dst_v[pl.ds(g * 16, 16)]
            plsc.addupdate_scatter(cnt_l, [d16], ones16)

    BUFS = ((idx_a, dst_a, rows_a, sem_ia, sem_a, sem_sa),
            (idx_b, dst_b, rows_b, sem_ib, sem_b, sem_sb),
            (idx_c, dst_c, rows_c, sem_ic, sem_c, sem_sc))

    def consume(k, buf):
        iv, dv, rv, si, sg, ss = buf
        gather(iv, rv, sg).wait()
        scatter_start(dv, rv, ss)
        counts(dv)

    def refill(k_next, buf):
        iv, dv, rv, si, sg, ss = buf
        scatter_wait(dv, rv, ss)
        idx_load(k_next, iv, dv, si)
        gather(iv, rv, sg).start()

    A, B, C = BUFS
    idx_load(0, A[0], A[1], A[3]); gather(A[0], A[2], A[4]).start()
    idx_load(1, B[0], B[1], B[3]); gather(B[0], B[2], B[4]).start()
    pltpu.sync_copy(zeros_hbm, acc.at[pl.ds(s * RPS, RPS)])
    pltpu.sync_copy(zerosv_hbm, cnt_l)
    plsc.subcore_barrier()
    consume(0, A)
    idx_load(2, C[0], C[1], C[3]); gather(C[0], C[2], C[4]).start()
    consume(1, B)
    refill(3, A)
    consume(2, C)
    refill(4, B)

    @pl.loop(3, ITERS - 2, step=3)
    def _(k):
        consume(k, A)
        refill(k + 2, C)
        consume(k + 1, B)
        refill(k + 3, A)
        consume(k + 2, C)
        refill(k + 4, B)

    consume(ITERS - 2, A)
    consume(ITERS - 1, B)
    scatter_wait(A[1], A[2], A[5])
    scatter_wait(B[1], B[2], B[5])
    scatter_wait(C[1], C[2], C[5])
    plsc.subcore_barrier()

    pltpu.sync_copy(
        acc.at[pl.ds(s * RPS, RPS)],
        out_msg.at[pl.ds(c * N_PAD + s * RPS, RPS)],
    )
    pltpu.sync_copy(cnt_l, out_cnt.at[pl.ds(wid * N_PAD, N_PAD)])


_sc_scatter = functools.partial(
    pl.kernel,
    out_type=(
        jax.ShapeDtypeStruct((NC * N_PAD, DIM), jnp.float32),
        jax.ShapeDtypeStruct((NW * N_PAD,), jnp.float32),
    ),
    mesh=plsc.VectorSubcoreMesh(core_axis_name="c", subcore_axis_name="s"),
    compiler_params=pltpu.CompilerParams(needs_layout_passes=False),
    scratch_types=[
        pltpu.VMEM_SHARED((N_PAD, DIM), jnp.float32),
        pltpu.VMEM((CHUNK,), jnp.int32),
        pltpu.VMEM((CHUNK,), jnp.int32),
        pltpu.VMEM((CHUNK,), jnp.int32),
        pltpu.VMEM((CHUNK,), jnp.int32),
        pltpu.VMEM((CHUNK,), jnp.int32),
        pltpu.VMEM((CHUNK,), jnp.int32),
        pltpu.VMEM((CHUNK, DIM), jnp.float32),
        pltpu.VMEM((CHUNK, DIM), jnp.float32),
        pltpu.VMEM((CHUNK, DIM), jnp.float32),
        pltpu.VMEM((N_PAD,), jnp.float32),
        pltpu.SemaphoreType.DMA,
        pltpu.SemaphoreType.DMA,
        pltpu.SemaphoreType.DMA,
        pltpu.SemaphoreType.DMA,
        pltpu.SemaphoreType.DMA,
        pltpu.SemaphoreType.DMA,
        pltpu.SemaphoreType.DMA,
        pltpu.SemaphoreType.DMA,
        pltpu.SemaphoreType.DMA,
    ],
)(_sc_body)


def _comb_body(p_ref, c_ref, o_ref):
    nb = pl.program_id(0)
    ssum = p_ref[0] + p_ref[1]
    cnt = jnp.sum(
        c_ref[:, pl.ds(nb * (CB_R // DIM), CB_R // DIM), :], axis=0)
    div = jnp.where(cnt == 0.0, jnp.float32(1.0), cnt) + jnp.float32(SMALL)
    recip2d = 1.0 / div
    rr = jnp.broadcast_to(
        recip2d[:, None, :], (CB_R // DIM, DIM, DIM)).reshape(CB_R, DIM)
    i0 = lax.broadcasted_iota(jnp.int32, (CB_R, DIM), 0)
    i1 = lax.broadcasted_iota(jnp.int32, (CB_R, DIM), 1)
    m = lax.rem(i0, DIM) == i1
    recip = jnp.sum(jnp.where(m, rr, 0.0), axis=1, keepdims=True)
    o_ref[...] = ssum * recip


def _combine(partials, cnts):
    return pl.pallas_call(
        _comb_body,
        grid=(N_PAD // CB_R,),
        in_specs=[
            pl.BlockSpec((NC, CB_R, DIM), lambda nb: (0, nb, 0)),
            pl.BlockSpec((NW, CG, DIM), lambda nb: (0, 0, 0)),
        ],
        out_specs=pl.BlockSpec((CB_R, DIM), lambda nb: (nb, 0)),
        out_shape=jax.ShapeDtypeStruct((N_NODES, DIM), jnp.float32),
    )(partials, cnts)


def kernel(edge_lists, node_states, W, b):
    el = edge_lists.astype(jnp.int32)
    src = el[:, :, 0]
    dst = el[:, :, 1].reshape(-1)
    gidx = (src + jnp.arange(N_TYPES, dtype=jnp.int32)[:, None]
            * N_NODES).reshape(-1)

    w3 = W.reshape(N_TYPES, DIM, DIM)
    b2 = b.reshape(N_TYPES, 1, DIM)

    table = _build_table(node_states, w3, b2).reshape(N_TYPES * N_NODES, DIM)
    zeros = jnp.zeros((RPS, DIM), jnp.float32)
    zerosv = jnp.zeros((N_PAD,), jnp.float32)
    msgs, cnts = _sc_scatter(table, gidx, dst, zeros, zerosv)
    return _combine(msgs.reshape(NC, N_PAD, DIM), cnts.reshape(NW, CG, DIM))

# --- scband reference (transcript-rebuilt; emitter-appended) ---
"""Pipeline reference for scband-messaging-layer-14276471292546 (READ-ONLY COPY).

The authoritative reference and input builder live on the scoring server;
editing this copy changes nothing except your own understanding.
"""

import jax, jax.numpy as jnp
import numpy as np

SMALL_NUMBER = 1e-08

N_NODES = 10000
DIM = 128
N_EDGE_TYPES = 4
EDGES_PER_TYPE = 80000


def setup_inputs(seed: int = 0) -> dict:
    key = jax.random.key(seed)
    k1, k2, k3, k4 = jax.random.split(key, 4)
    edge_lists = jax.random.randint(k1, (N_EDGE_TYPES, EDGES_PER_TYPE, 2), 0, N_NODES, dtype=jnp.int64) if jax.config.jax_enable_x64 else jax.random.randint(k1, (N_EDGE_TYPES, EDGES_PER_TYPE, 2), 0, N_NODES, dtype=jnp.int32)
    node_states = jax.random.normal(k2, (N_NODES, DIM), dtype=jnp.float32)
    # LinearNet transform: dim -> dim * n_edge_types, with bias (dropout=0.0 -> identity)
    W = jax.random.normal(k3, (DIM * N_EDGE_TYPES, DIM), dtype=jnp.float32) * (1.0 / np.sqrt(DIM))
    b = jax.random.normal(k4, (DIM * N_EDGE_TYPES,), dtype=jnp.float32) * 0.01
    return {"edge_lists": edge_lists, "node_states": node_states, "W": W, "b": b}


def reference(edge_lists, node_states, W, b):
    N, dim = node_states.shape
    T = edge_lists.shape[0]
    # transform(node_states).transpose(0,1).view(T, dim, N) is equivalent to
    # reshaping [N, T*dim] -> [N, T, dim]; per-type embedding table is prop[:, i, :]
    prop = (node_states @ W.T + b).reshape(N, T, dim)
    messages_by_targets = jnp.zeros_like(node_states)
    bincount = jnp.zeros((N,), dtype=jnp.int32)
    for i in range(T):
        edge_sources = edge_lists[i, :, 0]
        edge_targets = edge_lists[i, :, 1]
        messages_by_source = jnp.take(prop[:, i, :], edge_sources, axis=0)
        messages_by_targets = messages_by_targets.at[edge_targets].add(messages_by_source)
        bincount = bincount + jnp.bincount(edge_targets, length=N)
    divisor = bincount.astype(jnp.float32)
    divisor = jnp.where(bincount == 0, jnp.float32(1.0), divisor)
    messages_by_targets = messages_by_targets / (divisor[:, None] + SMALL_NUMBER)
    return messages_by_targets

if __name__ == "__main__":
    import jax
    _d = setup_inputs()
    print(jax.jit(kernel)(*tuple(_d.values())))

</pallas_src>

<mosaic_0001>
#map = affine_map<(d0, d1) -> (0, 0)>
#map1 = affine_map<(d0, d1) -> (0)>
module attributes {stable_mosaic.version = 14 : i64} {
  func.func @_sc_body(%arg0: i32, %arg1: i32, %arg2: memref<40000x128xf32, #tpu.memory_space<hbm>>, %arg3: memref<320000xi32, #tpu.memory_space<hbm>>, %arg4: memref<320000xi32, #tpu.memory_space<hbm>>, %arg5: memref<640x128xf32, #tpu.memory_space<hbm>>, %arg6: memref<10240xf32, #tpu.memory_space<hbm>>, %arg7: memref<20480x128xf32, #tpu.memory_space<hbm>>, %arg8: memref<327680xf32, #tpu.memory_space<hbm>>, %arg9: memref<10240x128xf32, #tpu.memory_space<vmem_shared>>, %arg10: memref<80xi32, #tpu.memory_space<vmem>>, %arg11: memref<80xi32, #tpu.memory_space<vmem>>, %arg12: memref<80xi32, #tpu.memory_space<vmem>>, %arg13: memref<80xi32, #tpu.memory_space<vmem>>, %arg14: memref<80xi32, #tpu.memory_space<vmem>>, %arg15: memref<80xi32, #tpu.memory_space<vmem>>, %arg16: memref<80x128xf32, #tpu.memory_space<vmem>>, %arg17: memref<80x128xf32, #tpu.memory_space<vmem>>, %arg18: memref<80x128xf32, #tpu.memory_space<vmem>>, %arg19: memref<10240xf32, #tpu.memory_space<vmem>>, %arg20: memref<!tpu.dma_semaphore, #tpu.memory_space<semaphore_mem>>, %arg21: memref<!tpu.dma_semaphore, #tpu.memory_space<semaphore_mem>>, %arg22: memref<!tpu.dma_semaphore, #tpu.memory_space<semaphore_mem>>, %arg23: memref<!tpu.dma_semaphore, #tpu.memory_space<semaphore_mem>>, %arg24: memref<!tpu.dma_semaphore, #tpu.memory_space<semaphore_mem>>, %arg25: memref<!tpu.dma_semaphore, #tpu.memory_space<semaphore_mem>>, %arg26: memref<!tpu.dma_semaphore, #tpu.memory_space<semaphore_mem>>, %arg27: memref<!tpu.dma_semaphore, #tpu.memory_space<semaphore_mem>>, %arg28: memref<!tpu.dma_semaphore, #tpu.memory_space<semaphore_mem>>) attributes {dimension_semantics = [#tpu.dimension_semantics<core_parallel>, #tpu.dimension_semantics<subcore_parallel>], iteration_bounds = array<i64: 2, 16>, scalar_prefetch = 0 : i64, scratch_operands = 20 : i64, tpu.core_type = #tpu.core_type<sc_vector_subcore>, window_params = [{transform_indices = #map}, {transform_indices = #map1}, {transform_indices = #map1}, {transform_indices = #map}, {transform_indices = #map1}, {transform_indices = #map}, {transform_indices = #map1}]} {
    %mul3A = arith.constant 2 : i32
    %mul3A_0 = arith.muli %arg1, %mul3A : i32
    %add3A = arith.addi %mul3A_0, %arg0 : i32
    %broadcast_in_dim3A = arith.constant 1.000000e+00 : f32
    %broadcast_in_dim3A_1 = vector.broadcast %broadcast_in_dim3A : f32 to vector<16xf32>
    %mul3A_2 = arith.constant 10000 : i32
    %mul3A_3 = arith.muli %add3A, %mul3A_2 : i32
    %multiple_of3A = tpu.assume_multiple %mul3A_3, 8 : i32
    %add3A_4 = arith.constant 0 : i32
    %add3A_5 = arith.addi %multiple_of3A, %add3A_4 : i32
    %multiple_of3A_6 = tpu.assume_multiple %add3A_5, 8 : i32
    %dma_start3A = tpu.memref_slice %arg3[%multiple_of3A_6] : memref<320000xi32, #tpu.memory_space<hbm>> -> memref<80xi32, #tpu.memory_space<hbm>>
    %dma_start3A_7 = tpu.memref_slice %arg3[%multiple_of3A_6] : memref<320000xi32, #tpu.memory_space<hbm>> -> memref<80xi32, #tpu.memory_space<hbm>>
    tpu.enqueue_dma source(%dma_start3A_7 : memref<80xi32, #tpu.memory_space<hbm>>) target(%arg10 : memref<80xi32, #tpu.memory_space<vmem>>) target_semaphore(%arg20 : memref<!tpu.dma_semaphore, #tpu.memory_space<semaphore_mem>>)
    %dma_start3A_8 = tpu.memref_slice %arg4[%multiple_of3A_6] : memref<320000xi32, #tpu.memory_space<hbm>> -> memref<80xi32, #tpu.memory_space<hbm>>
    %dma_start3A_9 = tpu.memref_slice %arg4[%multiple_of3A_6] : memref<320000xi32, #tpu.memory_space<hbm>> -> memref<80xi32, #tpu.memory_space<hbm>>
    tpu.enqueue_dma source(%dma_start3A_9 : memref<80xi32, #tpu.memory_space<hbm>>) target(%arg13 : memref<80xi32, #tpu.memory_space<vmem>>) target_semaphore(%arg20 : memref<!tpu.dma_semaphore, #tpu.memory_space<semaphore_mem>>)
    %dma_wait3A = tpu.memref_slice %arg3[%multiple_of3A_6] : memref<320000xi32, #tpu.memory_space<hbm>> -> memref<80xi32, #tpu.memory_space<hbm>>
    %dma_wait3A_10 = tpu.memref_slice %arg3[%multiple_of3A_6] : memref<320000xi32, #tpu.memory_space<hbm>> -> memref<80xi32, #tpu.memory_space<hbm>>
    tpu.wait_dma2 semaphore(%arg20 : memref<!tpu.dma_semaphore, #tpu.memory_space<semaphore_mem>>) src(%dma_wait3A_10 : memref<80xi32, #tpu.memory_space<hbm>>) dst(%arg10 : memref<80xi32, #tpu.memory_space<vmem>>)
    %dma_wait3A_11 = tpu.memref_slice %arg4[%multiple_of3A_6] : memref<320000xi32, #tpu.memory_space<hbm>> -> memref<80xi32, #tpu.memory_space<hbm>>
    %dma_wait3A_12 = tpu.memref_slice %arg4[%multiple_of3A_6] : memref<320000xi32, #tpu.memory_space<hbm>> -> memref<80xi32, #tpu.memory_space<hbm>>
    tpu.wait_dma2 semaphore(%arg20 : memref<!tpu.dma_semaphore, #tpu.memory_space<semaphore_mem>>) src(%dma_wait3A_12 : memref<80xi32, #tpu.memory_space<hbm>>) dst(%arg13 : memref<80xi32, #tpu.memory_space<vmem>>)
    %dma_start3A_13 = arith.constant 0 : i32
    %dma_start3A_14 = arith.constant 0 : i32
    %dma_start3A_15 = tpu.memref_slice %arg2[%dma_start3A_13, %dma_start3A_14] : memref<40000x128xf32, #tpu.memory_space<hbm>> -> memref<40000x128xf32, #tpu.memory_space<hbm>>
    tpu.enqueue_indirect_dma source(%dma_start3A_15 : memref<40000x128xf32, #tpu.memory_space<hbm>>) target(%arg16 : memref<80x128xf32, #tpu.memory_space<vmem>>) offsets(%arg10 : memref<80xi32, #tpu.memory_space<vmem>>) semaphore(%arg23 : memref<!tpu.dma_semaphore, #tpu.memory_space<semaphore_mem>>)
    %add3A_16 = arith.constant 80 : i32
    %add3A_17 = arith.addi %multiple_of3A, %add3A_16 : i32
    %multiple_of3A_18 = tpu.assume_multiple %add3A_17, 8 : i32
    %dma_start3A_19 = tpu.memref_slice %arg3[%multiple_of3A_18] : memref<320000xi32, #tpu.memory_space<hbm>> -> memref<80xi32, #tpu.memory_space<hbm>>
    %dma_start3A_20 = tpu.memref_slice %arg3[%multiple_of3A_18] : memref<320000xi32, #tpu.memory_space<hbm>> -> memref<80xi32, #tpu.memory_space<hbm>>
    tpu.enqueue_dma source(%dma_start3A_20 : memref<80xi32, #tpu.memory_space<hbm>>) target(%arg11 : memref<80xi32, #tpu.memory_space<vmem>>) target_semaphore(%arg21 : memref<!tpu.dma_semaphore, #tpu.memory_space<semaphore_mem>>)
    %dma_start3A_21 = tpu.memref_slice %arg4[%multiple_of3A_18] : memref<320000xi32, #tpu.memory_space<hbm>> -> memref<80xi32, #tpu.memory_space<hbm>>
    %dma_start3A_22 = tpu.memref_slice %arg4[%multiple_of3A_18] : memref<320000xi32, #tpu.memory_space<hbm>> -> memref<80xi32, #tpu.memory_space<hbm>>
    tpu.enqueue_dma source(%dma_start3A_22 : memref<80xi32, #tpu.memory_space<hbm>>) target(%arg14 : memref<80xi32, #tpu.memory_space<vmem>>) target_semaphore(%arg21 : memref<!tpu.dma_semaphore, #tpu.memory_space<semaphore_mem>>)
    %dma_wait3A_23 = tpu.memref_slice %arg3[%multiple_of3A_18] : memref<320000xi32, #tpu.memory_space<hbm>> -> memref<80xi32, #tpu.memory_space<hbm>>
    %dma_wait3A_24 = tpu.memref_slice %arg3[%multiple_of3A_18] : memref<320000xi32, #tpu.memory_space<hbm>> -> memref<80xi32, #tpu.memory_space<hbm>>
    tpu.wait_dma2 semaphore(%arg21 : memref<!tpu.dma_semaphore, #tpu.memory_space<semaphore_mem>>) src(%dma_wait3A_24 : memref<80xi32, #tpu.memory_space<hbm>>) dst(%arg11 : memref<80xi32, #tpu.memory_space<vmem>>)
    %dma_wait3A_25 = tpu.memref_slice %arg4[%multiple_of3A_18] : memref<320000xi32, #tpu.memory_space<hbm>> -> memref<80xi32, #tpu.memory_space<hbm>>
    %dma_wait3A_26 = tpu.memref_slice %arg4[%multiple_of3A_18] : memref<320000xi32, #tpu.memory_space<hbm>> -> memref<80xi32, #tpu.memory_space<hbm>>
    tpu.wait_dma2 semaphore(%arg21 : memref<!tpu.dma_semaphore, #tpu.memory_space<semaphore_mem>>) src(%dma_wait3A_26 : memref<80xi32, #tpu.memory_space<hbm>>) dst(%arg14 : memref<80xi32, #tpu.memory_space<vmem>>)
    %dma_start3A_27 = arith.constant 0 : i32
    %dma_start3A_28 = arith.constant 0 : i32
    %dma_start3A_29 = tpu.memref_slice %arg2[%dma_start3A_27, %dma_start3A_28] : memref<40000x128xf32, #tpu.memory_space<hbm>> -> memref<40000x128xf32, #tpu.memory_space<hbm>>
    tpu.enqueue_indirect_dma source(%dma_start3A_29 : memref<40000x128xf32, #tpu.memory_space<hbm>>) target(%arg17 : memref<80x128xf32, #tpu.memory_space<vmem>>) offsets(%arg11 : memref<80xi32, #tpu.memory_space<vmem>>) semaphore(%arg24 : memref<!tpu.dma_semaphore, #tpu.memory_space<semaphore_mem>>)
    %mul3A_30 = arith.constant 640 : i32
    %mul3A_31 = arith.muli %arg1, %mul3A_30 : i32
    "tpu.region"() ({
      %run_scoped3A = tpu.sem_alloc : memref<!tpu.dma_semaphore, #tpu.memory_space<semaphore_mem>>
      %dma_start3A_182 = arith.constant 0 : i32
      %dma_start3A_183 = tpu.memref_slice %arg9[%mul3A_31, %dma_start3A_182] : memref<10240x128xf32, #tpu.memory_space<vmem_shared>> -> memref<640x128xf32, #tpu.memory_space<vmem_shared>>
      tpu.enqueue_dma source(%arg5 : memref<640x128xf32, #tpu.memory_space<hbm>>) target(%dma_start3A_183 : memref<640x128xf32, #tpu.memory_space<vmem_shared>>) target_semaphore(%run_scoped3A : memref<!tpu.dma_semaphore, #tpu.memory_space<semaphore_mem>>)
      %dma_wait3A_184 = arith.constant 0 : i32
      %dma_wait3A_185 = tpu.memref_slice %arg9[%mul3A_31, %dma_wait3A_184] : memref<10240x128xf32, #tpu.memory_space<vmem_shared>> -> memref<640x128xf32, #tpu.memory_space<vmem_shared>>
      tpu.wait_dma2 semaphore(%run_scoped3A : memref<!tpu.dma_semaphore, #tpu.memory_space<semaphore_mem>>) src(%arg5 : memref<640x128xf32, #tpu.memory_space<hbm>>) dst(%dma_wait3A_185 : memref<640x128xf32, #tpu.memory_space<vmem_shared>>)
      tpu.yield
    }) : () -> ()
    "tpu.region"() ({
      %run_scoped3A = tpu.sem_alloc : memref<!tpu.dma_semaphore, #tpu.memory_space<semaphore_mem>>
      tpu.enqueue_dma source(%arg6 : memref<10240xf32, #tpu.memory_space<hbm>>) target(%arg19 : memref<10240xf32, #tpu.memory_space<vmem>>) target_semaphore(%run_scoped3A : memref<!tpu.dma_semaphore, #tpu.memory_space<semaphore_mem>>)
      tpu.wait_dma2 semaphore(%run_scoped3A : memref<!tpu.dma_semaphore, #tpu.memory_space<semaphore_mem>>) src(%arg6 : memref<10240xf32, #tpu.memory_space<hbm>>) dst(%arg19 : memref<10240xf32, #tpu.memory_space<vmem>>)
      tpu.yield
    }) : () -> ()
    %barrier3A = arith.constant 0 : index
    tpu.barrier barrier_id(%barrier3A)
    %dma_wait3A_32 = arith.constant 0 : i32
    %dma_wait3A_33 = arith.constant 0 : i32
    %dma_wait3A_34 = tpu.memref_slice %arg2[%dma_wait3A_32, %dma_wait3A_33] : memref<40000x128xf32, #tpu.memory_space<hbm>> -> memref<40000x128xf32, #tpu.memory_space<hbm>>
    tpu.wait_indirect_dma semaphore(%arg23 : memref<!tpu.dma_semaphore, #tpu.memory_space<semaphore_mem>>) src(%dma_wait3A_34 : memref<40000x128xf32, #tpu.memory_space<hbm>>) dst(%arg16 : memref<80x128xf32, #tpu.memory_space<vmem>>)
    %dma_start3A_35 = arith.constant 0 : i32
    %dma_start3A_36 = arith.constant 0 : i32
    %dma_start3A_37 = tpu.memref_slice %arg9[%dma_start3A_35, %dma_start3A_36] : memref<10240x128xf32, #tpu.memory_space<vmem_shared>> -> memref<10240x128xf32, #tpu.memory_space<vmem_shared>>
    tpu.enqueue_indirect_dma source(%arg16 : memref<80x128xf32, #tpu.memory_space<vmem>>) target(%dma_start3A_37 : memref<10240x128xf32, #tpu.memory_space<vmem_shared>>) offsets(%arg13 : memref<80xi32, #tpu.memory_space<vmem>>) semaphore(%arg26 : memref<!tpu.dma_semaphore, #tpu.memory_space<semaphore_mem>>) {add = true}
    %get3A = arith.constant 0 : index
    %get3A_38 = tpu.vector_load %arg13[%get3A] {strides = array<i32>} : memref<80xi32, #tpu.memory_space<vmem>>, vector<16xi32>,
    tpu.vector_store_idx %arg19[%get3A_38], %broadcast_in_dim3A_1 {add = true} : memref<10240xf32, #tpu.memory_space<vmem>>[vector<16xi32>], vector<16xf32>,
    %get3A_39 = arith.constant 16 : index
    %get3A_40 = tpu.vector_load %arg13[%get3A_39] {strides = array<i32>} : memref<80xi32, #tpu.memory_space<vmem>>, vector<16xi32>,
    tpu.vector_store_idx %arg19[%get3A_40], %broadcast_in_dim3A_1 {add = true} : memref<10240xf32, #tpu.memory_space<vmem>>[vector<16xi32>], vector<16xf32>,
    %get3A_41 = arith.constant 32 : index
    %get3A_42 = tpu.vector_load %arg13[%get3A_41] {strides = array<i32>} : memref<80xi32, #tpu.memory_space<vmem>>, vector<16xi32>,
    tpu.vector_store_idx %arg19[%get3A_42], %broadcast_in_dim3A_1 {add = true} : memref<10240xf32, #tpu.memory_space<vmem>>[vector<16xi32>], vector<16xf32>,
    %get3A_43 = arith.constant 48 : index
    %get3A_44 = tpu.vector_load %arg13[%get3A_43] {strides = array<i32>} : memref<80xi32, #tpu.memory_space<vmem>>, vector<16xi32>,
    tpu.vector_store_idx %arg19[%get3A_44], %broadcast_in_dim3A_1 {add = true} : memref<10240xf32, #tpu.memory_space<vmem>>[vector<16xi32>], vector<16xf32>,
    %get3A_45 = arith.constant 64 : index
    %get3A_46 = tpu.vector_load %arg13[%get3A_45] {strides = array<i32>} : memref<80xi32, #tpu.memory_space<vmem>>, vector<16xi32>,
    tpu.vector_store_idx %arg19[%get3A_46], %broadcast_in_dim3A_1 {add = true} : memref<10240xf32, #tpu.memory_space<vmem>>[vector<16xi32>], vector<16xf32>,
    %add3A_47 = arith.constant 160 : i32
    %add3A_48 = arith.addi %multiple_of3A, %add3A_47 : i32
    %multiple_of3A_49 = tpu.assume_multiple %add3A_48, 8 : i32
    %dma_start3A_50 = tpu.memref_slice %arg3[%multiple_of3A_49] : memref<320000xi32, #tpu.memory_space<hbm>> -> memref<80xi32, #tpu.memory_space<hbm>>
    %dma_start3A_51 = tpu.memref_slice %arg3[%multiple_of3A_49] : memref<320000xi32, #tpu.memory_space<hbm>> -> memref<80xi32, #tpu.memory_space<hbm>>
    tpu.enqueue_dma source(%dma_start3A_51 : memref<80xi32, #tpu.memory_space<hbm>>) target(%arg12 : memref<80xi32, #tpu.memory_space<vmem>>) target_semaphore(%arg22 : memref<!tpu.dma_semaphore, #tpu.memory_space<semaphore_mem>>)
    %dma_start3A_52 = tpu.memref_slice %arg4[%multiple_of3A_49] : memref<320000xi32, #tpu.memory_space<hbm>> -> memref<80xi32, #tpu.memory_space<hbm>>
    %dma_start3A_53 = tpu.memref_slice %arg4[%multiple_of3A_49] : memref<320000xi32, #tpu.memory_space<hbm>> -> memref<80xi32, #tpu.memory_space<hbm>>
    tpu.enqueue_dma source(%dma_start3A_53 : memref<80xi32, #tpu.memory_space<hbm>>) target(%arg15 : memref<80xi32, #tpu.memory_space<vmem>>) target_semaphore(%arg22 : memref<!tpu.dma_semaphore, #tpu.memory_space<semaphore_mem>>)
    %dma_wait3A_54 = tpu.memref_slice %arg3[%multiple_of3A_49] : memref<320000xi32, #tpu.memory_space<hbm>> -> memref<80xi32, #tpu.memory_space<hbm>>
    %dma_wait3A_55 = tpu.memref_slice %arg3[%multiple_of3A_49] : memref<320000xi32, #tpu.memory_space<hbm>> -> memref<80xi32, #tpu.memory_space<hbm>>
    tpu.wait_dma2 semaphore(%arg22 : memref<!tpu.dma_semaphore, #tpu.memory_space<semaphore_mem>>) src(%dma_wait3A_55 : memref<80xi32, #tpu.memory_space<hbm>>) dst(%arg12 : memref<80xi32, #tpu.memory_space<vmem>>)
    %dma_wait3A_56 = tpu.memref_slice %arg4[%multiple_of3A_49] : memref<320000xi32, #tpu.memory_space<hbm>> -> memref<80xi32, #tpu.memory_space<hbm>>
    %dma_wait3A_57 = tpu.memref_slice %arg4[%multiple_of3A_49] : memref<320000xi32, #tpu.memory_space<hbm>> -> memref<80xi32, #tpu.memory_space<hbm>>
    tpu.wait_dma2 semaphore(%arg22 : memref<!tpu.dma_semaphore, #tpu.memory_space<semaphore_mem>>) src(%dma_wait3A_57 : memref<80xi32, #tpu.memory_space<hbm>>) dst(%arg15 : memref<80xi32, #tpu.memory_space<vmem>>)
    %dma_start3A_58 = arith.constant 0 : i32
    %dma_start3A_59 = arith.constant 0 : i32
    %dma_start3A_60 = tpu.memref_slice %arg2[%dma_start3A_58, %dma_start3A_59] : memref<40000x128xf32, #tpu.memory_space<hbm>> -> memref<40000x128xf32, #tpu.memory_space<hbm>>
    tpu.enqueue_indirect_dma source(%dma_start3A_60 : memref<40000x128xf32, #tpu.memory_space<hbm>>) target(%arg18 : memref<80x128xf32, #tpu.memory_space<vmem>>) offsets(%arg12 : memref<80xi32, #tpu.memory_space<vmem>>) semaphore(%arg25 : memref<!tpu.dma_semaphore, #tpu.memory_space<semaphore_mem>>)
    %dma_wait3A_61 = arith.constant 0 : i32
    %dma_wait3A_62 = arith.constant 0 : i32
    %dma_wait3A_63 = tpu.memref_slice %arg2[%dma_wait3A_61, %dma_wait3A_62] : memref<40000x128xf32, #tpu.memory_space<hbm>> -> memref<40000x128xf32, #tpu.memory_space<hbm>>
    tpu.wait_indirect_dma semaphore(%arg24 : memref<!tpu.dma_semaphore, #tpu.memory_space<semaphore_mem>>) src(%dma_wait3A_63 : memref<40000x128xf32, #tpu.memory_space<hbm>>) dst(%arg17 : memref<80x128xf32, #tpu.memory_space<vmem>>)
    %dma_start3A_64 = arith.constant 0 : i32
    %dma_start3A_65 = arith.constant 0 : i32
    %dma_start3A_66 = tpu.memref_slice %arg9[%dma_start3A_64, %dma_start3A_65] : memref<10240x128xf32, #tpu.memory_space<vmem_shared>> -> memref<10240x128xf32, #tpu.memory_space<vmem_shared>>
    tpu.enqueue_indirect_dma source(%arg17 : memref<80x128xf32, #tpu.memory_space<vmem>>) target(%dma_start3A_66 : memref<10240x128xf32, #tpu.memory_space<vmem_shared>>) offsets(%arg14 : memref<80xi32, #tpu.memory_space<vmem>>) semaphore(%arg27 : memref<!tpu.dma_semaphore, #tpu.memory_space<semaphore_mem>>) {add = true}
    %get3A_67 = arith.constant 0 : index
    %get3A_68 = tpu.vector_load %arg14[%get3A_67] {strides = array<i32>} : memref<80xi32, #tpu.memory_space<vmem>>, vector<16xi32>,
    tpu.vector_store_idx %arg19[%get3A_68], %broadcast_in_dim3A_1 {add = true} : memref<10240xf32, #tpu.memory_space<vmem>>[vector<16xi32>], vector<16xf32>,
    %get3A_69 = arith.constant 16 : index
    %get3A_70 = tpu.vector_load %arg14[%get3A_69] {strides = array<i32>} : memref<80xi32, #tpu.memory_space<vmem>>, vector<16xi32>,
    tpu.vector_store_idx %arg19[%get3A_70], %broadcast_in_dim3A_1 {add = true} : memref<10240xf32, #tpu.memory_space<vmem>>[vector<16xi32>], vector<16xf32>,
    %get3A_71 = arith.constant 32 : index
    %get3A_72 = tpu.vector_load %arg14[%get3A_71] {strides = array<i32>} : memref<80xi32, #tpu.memory_space<vmem>>, vector<16xi32>,
    tpu.vector_store_idx %arg19[%get3A_72], %broadcast_in_dim3A_1 {add = true} : memref<10240xf32, #tpu.memory_space<vmem>>[vector<16xi32>], vector<16xf32>,
    %get3A_73 = arith.constant 48 : index
    %get3A_74 = tpu.vector_load %arg14[%get3A_73] {strides = array<i32>} : memref<80xi32, #tpu.memory_space<vmem>>, vector<16xi32>,
    tpu.vector_store_idx %arg19[%get3A_74], %broadcast_in_dim3A_1 {add = true} : memref<10240xf32, #tpu.memory_space<vmem>>[vector<16xi32>], vector<16xf32>,
    %get3A_75 = arith.constant 64 : index
    %get3A_76 = tpu.vector_load %arg14[%get3A_75] {strides = array<i32>} : memref<80xi32, #tpu.memory_space<vmem>>, vector<16xi32>,
    tpu.vector_store_idx %arg19[%get3A_76], %broadcast_in_dim3A_1 {add = true} : memref<10240xf32, #tpu.memory_space<vmem>>[vector<16xi32>], vector<16xf32>,
    %dma_wait3A_77 = arith.constant 0 : i32
    %dma_wait3A_78 = arith.constant 0 : i32
    %dma_wait3A_79 = tpu.memref_slice %arg9[%dma_wait3A_77, %dma_wait3A_78] : memref<10240x128xf32, #tpu.memory_space<vmem_shared>> -> memref<10240x128xf32, #tpu.memory_space<vmem_shared>>
    tpu.wait_indirect_dma semaphore(%arg26 : memref<!tpu.dma_semaphore, #tpu.memory_space<semaphore_mem>>) src(%arg16 : memref<80x128xf32, #tpu.memory_space<vmem>>) dst(%dma_wait3A_79 : memref<10240x128xf32, #tpu.memory_space<vmem_shared>>)
    %add3A_80 = arith.constant 240 : i32
    %add3A_81 = arith.addi %multiple_of3A, %add3A_80 : i32
    %multiple_of3A_82 = tpu.assume_multiple %add3A_81, 8 : i32
    %dma_start3A_83 = tpu.memref_slice %arg3[%multiple_of3A_82] : memref<320000xi32, #tpu.memory_space<hbm>> -> memref<80xi32, #tpu.memory_space<hbm>>
    %dma_start3A_84 = tpu.memref_slice %arg3[%multiple_of3A_82] : memref<320000xi32, #tpu.memory_space<hbm>> -> memref<80xi32, #tpu.memory_space<hbm>>
    tpu.enqueue_dma source(%dma_start3A_84 : memref<80xi32, #tpu.memory_space<hbm>>) target(%arg10 : memref<80xi32, #tpu.memory_space<vmem>>) target_semaphore(%arg20 : memref<!tpu.dma_semaphore, #tpu.memory_space<semaphore_mem>>)
    %dma_start3A_85 = tpu.memref_slice %arg4[%multiple_of3A_82] : memref<320000xi32, #tpu.memory_space<hbm>> -> memref<80xi32, #tpu.memory_space<hbm>>
    %dma_start3A_86 = tpu.memref_slice %arg4[%multiple_of3A_82] : memref<320000xi32, #tpu.memory_space<hbm>> -> memref<80xi32, #tpu.memory_space<hbm>>
    tpu.enqueue_dma source(%dma_start3A_86 : memref<80xi32, #tpu.memory_space<hbm>>) target(%arg13 : memref<80xi32, #tpu.memory_space<vmem>>) target_semaphore(%arg20 : memref<!tpu.dma_semaphore, #tpu.memory_space<semaphore_mem>>)
    %dma_wait3A_87 = tpu.memref_slice %arg3[%multiple_of3A_82] : memref<320000xi32, #tpu.memory_space<hbm>> -> memref<80xi32, #tpu.memory_space<hbm>>
    %dma_wait3A_88 = tpu.memref_slice %arg3[%multiple_of3A_82] : memref<320000xi32, #tpu.memory_space<hbm>> -> memref<80xi32, #tpu.memory_space<hbm>>
    tpu.wait_dma2 semaphore(%arg20 : memref<!tpu.dma_semaphore, #tpu.memory_space<semaphore_mem>>) src(%dma_wait3A_88 : memref<80xi32, #tpu.memory_space<hbm>>) dst(%arg10 : memref<80xi32, #tpu.memory_space<vmem>>)
    %dma_wait3A_89 = tpu.memref_slice %arg4[%multiple_of3A_82] : memref<320000xi32, #tpu.memory_space<hbm>> -> memref<80xi32, #tpu.memory_space<hbm>>
    %dma_wait3A_90 = tpu.memref_slice %arg4[%multiple_of3A_82] : memref<320000xi32, #tpu.memory_space<hbm>> -> memref<80xi32, #tpu.memory_space<hbm>>
    tpu.wait_dma2 semaphore(%arg20 : memref<!tpu.dma_semaphore, #tpu.memory_space<semaphore_mem>>) src(%dma_wait3A_90 : memref<80xi32, #tpu.memory_space<hbm>>) dst(%arg13 : memref<80xi32, #tpu.memory_space<vmem>>)
    %dma_start3A_91 = arith.constant 0 : i32
    %dma_start3A_92 = arith.constant 0 : i32
    %dma_start3A_93 = tpu.memref_slice %arg2[%dma_start3A_91, %dma_start3A_92] : memref<40000x128xf32, #tpu.memory_space<hbm>> -> memref<40000x128xf32, #tpu.memory_space<hbm>>
    tpu.enqueue_indirect_dma source(%dma_start3A_93 : memref<40000x128xf32, #tpu.memory_space<hbm>>) target(%arg16 : memref<80x128xf32, #tpu.memory_space<vmem>>) offsets(%arg10 : memref<80xi32, #tpu.memory_space<vmem>>) semaphore(%arg23 : memref<!tpu.dma_semaphore, #tpu.memory_space<semaphore_mem>>)
    %dma_wait3A_94 = arith.constant 0 : i32
    %dma_wait3A_95 = arith.constant 0 : i32
    %dma_wait3A_96 = tpu.memref_slice %arg2[%dma_wait3A_94, %dma_wait3A_95] : memref<40000x128xf32, #tpu.memory_space<hbm>> -> memref<40000x128xf32, #tpu.memory_space<hbm>>
    tpu.wait_indirect_dma semaphore(%arg25 : memref<!tpu.dma_semaphore, #tpu.memory_space<semaphore_mem>>) src(%dma_wait3A_96 : memref<40000x128xf32, #tpu.memory_space<hbm>>) dst(%arg18 : memref<80x128xf32, #tpu.memory_space<vmem>>)
    %dma_start3A_97 = arith.constant 0 : i32
    %dma_start3A_98 = arith.constant 0 : i32
    %dma_start3A_99 = tpu.memref_slice %arg9[%dma_start3A_97, %dma_start3A_98] : memref<10240x128xf32, #tpu.memory_space<vmem_shared>> -> memref<10240x128xf32, #tpu.memory_space<vmem_shared>>
    tpu.enqueue_indirect_dma source(%arg18 : memref<80x128xf32, #tpu.memory_space<vmem>>) target(%dma_start3A_99 : memref<10240x128xf32, #tpu.memory_space<vmem_shared>>) offsets(%arg15 : memref<80xi32, #tpu.memory_space<vmem>>) semaphore(%arg28 : memref<!tpu.dma_semaphore, #tpu.memory_space<semaphore_mem>>) {add = true}
    %get3A_100 = arith.constant 0 : index
    %get3A_101 = tpu.vector_load %arg15[%get3A_100] {strides = array<i32>} : memref<80xi32, #tpu.memory_space<vmem>>, vector<16xi32>,
    tpu.vector_store_idx %arg19[%get3A_101], %broadcast_in_dim3A_1 {add = true} : memref<10240xf32, #tpu.memory_space<vmem>>[vector<16xi32>], vector<16xf32>,
    %get3A_102 = arith.constant 16 : index
    %get3A_103 = tpu.vector_load %arg15[%get3A_102] {strides = array<i32>} : memref<80xi32, #tpu.memory_space<vmem>>, vector<16xi32>,
    tpu.vector_store_idx %arg19[%get3A_103], %broadcast_in_dim3A_1 {add = true} : memref<10240xf32, #tpu.memory_space<vmem>>[vector<16xi32>], vector<16xf32>,
    %get3A_104 = arith.constant 32 : index
    %get3A_105 = tpu.vector_load %arg15[%get3A_104] {strides = array<i32>} : memref<80xi32, #tpu.memory_space<vmem>>, vector<16xi32>,
    tpu.vector_store_idx %arg19[%get3A_105], %broadcast_in_dim3A_1 {add = true} : memref<10240xf32, #tpu.memory_space<vmem>>[vector<16xi32>], vector<16xf32>,
    %get3A_106 = arith.constant 48 : index
    %get3A_107 = tpu.vector_load %arg15[%get3A_106] {strides = array<i32>} : memref<80xi32, #tpu.memory_space<vmem>>, vector<16xi32>,
    tpu.vector_store_idx %arg19[%get3A_107], %broadcast_in_dim3A_1 {add = true} : memref<10240xf32, #tpu.memory_space<vmem>>[vector<16xi32>], vector<16xf32>,
    %get3A_108 = arith.constant 64 : index
    %get3A_109 = tpu.vector_load %arg15[%get3A_108] {strides = array<i32>} : memref<80xi32, #tpu.memory_space<vmem>>, vector<16xi32>,
    tpu.vector_store_idx %arg19[%get3A_109], %broadcast_in_dim3A_1 {add = true} : memref<10240xf32, #tpu.memory_space<vmem>>[vector<16xi32>], vector<16xf32>,
    %dma_wait3A_110 = arith.constant 0 : i32
    %dma_wait3A_111 = arith.constant 0 : i32
    %dma_wait3A_112 = tpu.memref_slice %arg9[%dma_wait3A_110, %dma_wait3A_111] : memref<10240x128xf32, #tpu.memory_space<vmem_shared>> -> memref<10240x128xf32, #tpu.memory_space<vmem_shared>>
    tpu.wait_indirect_dma semaphore(%arg27 : memref<!tpu.dma_semaphore, #tpu.memory_space<semaphore_mem>>) src(%arg17 : memref<80x128xf32, #tpu.memory_space<vmem>>) dst(%dma_wait3A_112 : memref<10240x128xf32, #tpu.memory_space<vmem_shared>>)
    %add3A_113 = arith.constant 320 : i32
    %add3A_114 = arith.addi %multiple_of3A, %add3A_113 : i32
    %multiple_of3A_115 = tpu.assume_multiple %add3A_114, 8 : i32
    %dma_start3A_116 = tpu.memref_slice %arg3[%multiple_of3A_115] : memref<320000xi32, #tpu.memory_space<hbm>> -> memref<80xi32, #tpu.memory_space<hbm>>
    %dma_start3A_117 = tpu.memref_slice %arg3[%multiple_of3A_115] : memref<320000xi32, #tpu.memory_space<hbm>> -> memref<80xi32, #tpu.memory_space<hbm>>
    tpu.enqueue_dma source(%dma_start3A_117 : memref<80xi32, #tpu.memory_space<hbm>>) target(%arg11 : memref<80xi32, #tpu.memory_space<vmem>>) target_semaphore(%arg21 : memref<!tpu.dma_semaphore, #tpu.memory_space<semaphore_mem>>)
    %dma_start3A_118 = tpu.memref_slice %arg4[%multiple_of3A_115] : memref<320000xi32, #tpu.memory_space<hbm>> -> memref<80xi32, #tpu.memory_space<hbm>>
    %dma_start3A_119 = tpu.memref_slice %arg4[%multiple_of3A_115] : memref<320000xi32, #tpu.memory_space<hbm>> -> memref<80xi32, #tpu.memory_space<hbm>>
    tpu.enqueue_dma source(%dma_start3A_119 : memref<80xi32, #tpu.memory_space<hbm>>) target(%arg14 : memref<80xi32, #tpu.memory_space<vmem>>) target_semaphore(%arg21 : memref<!tpu.dma_semaphore, #tpu.memory_space<semaphore_mem>>)
    %dma_wait3A_120 = tpu.memref_slice %arg3[%multiple_of3A_115] : memref<320000xi32, #tpu.memory_space<hbm>> -> memref<80xi32, #tpu.memory_space<hbm>>
    %dma_wait3A_121 = tpu.memref_slice %arg3[%multiple_of3A_115] : memref<320000xi32, #tpu.memory_space<hbm>> -> memref<80xi32, #tpu.memory_space<hbm>>
    tpu.wait_dma2 semaphore(%arg21 : memref<!tpu.dma_semaphore, #tpu.memory_space<semaphore_mem>>) src(%dma_wait3A_121 : memref<80xi32, #tpu.memory_space<hbm>>) dst(%arg11 : memref<80xi32, #tpu.memory_space<vmem>>)
    %dma_wait3A_122 = tpu.memref_slice %arg4[%multiple_of3A_115] : memref<320000xi32, #tpu.memory_space<hbm>> -> memref<80xi32, #tpu.memory_space<hbm>>
    %dma_wait3A_123 = tpu.memref_slice %arg4[%multiple_of3A_115] : memref<320000xi32, #tpu.memory_space<hbm>> -> memref<80xi32, #tpu.memory_space<hbm>>
    tpu.wait_dma2 semaphore(%arg21 : memref<!tpu.dma_semaphore, #tpu.memory_space<semaphore_mem>>) src(%dma_wait3A_123 : memref<80xi32, #tpu.memory_space<hbm>>) dst(%arg14 : memref<80xi32, #tpu.memory_space<vmem>>)
    %dma_start3A_124 = arith.constant 0 : i32
    %dma_start3A_125 = arith.constant 0 : i32
    %dma_start3A_126 = tpu.memref_slice %arg2[%dma_start3A_124, %dma_start3A_125] : memref<40000x128xf32, #tpu.memory_space<hbm>> -> memref<40000x128xf32, #tpu.memory_space<hbm>>
    tpu.enqueue_indirect_dma source(%dma_start3A_126 : memref<40000x128xf32, #tpu.memory_space<hbm>>) target(%arg17 : memref<80x128xf32, #tpu.memory_space<vmem>>) offsets(%arg11 : memref<80xi32, #tpu.memory_space<vmem>>) semaphore(%arg24 : memref<!tpu.dma_semaphore, #tpu.memory_space<semaphore_mem>>)
    %scan3A = arith.constant 0 : i32
    %scan3A_127 = arith.constant 40 : i32
    %scan3A_128 = arith.addi %scan3A, %scan3A_127 : i32
    %scan3A_129 = arith.constant 1 : i32
    scf.for %scan3A_182 = %scan3A to %scan3A_128 step %scan3A_129  : i32 {
      %mul3A_183 = arith.constant 3 : i32
      %mul3A_184 = arith.muli %scan3A_182, %mul3A_183 : i32
      %add3A_185 = arith.constant 3 : i32
      %add3A_186 = arith.addi %add3A_185, %mul3A_184 : i32
      %dma_wait3A_187 = arith.constant 0 : i32
      %dma_wait3A_188 = arith.constant 0 : i32
      %dma_wait3A_189 = tpu.memref_slice %arg2[%dma_wait3A_187, %dma_wait3A_188] : memref<40000x128xf32, #tpu.memory_space<hbm>> -> memref<40000x128xf32, #tpu.memory_space<hbm>>
      tpu.wait_indirect_dma semaphore(%arg23 : memref<!tpu.dma_semaphore, #tpu.memory_space<semaphore_mem>>) src(%dma_wait3A_189 : memref<40000x128xf32, #tpu.memory_space<hbm>>) dst(%arg16 : memref<80x128xf32, #tpu.memory_space<vmem>>)
      %dma_start3A_190 = arith.constant 0 : i32
      %dma_start3A_191 = arith.constant 0 : i32
      %dma_start3A_192 = tpu.memref_slice %arg9[%dma_start3A_190, %dma_start3A_191] : memref<10240x128xf32, #tpu.memory_space<vmem_shared>> -> memref<10240x128xf32, #tpu.memory_space<vmem_shared>>
      tpu.enqueue_indirect_dma source(%arg16 : memref<80x128xf32, #tpu.memory_space<vmem>>) target(%dma_start3A_192 : memref<10240x128xf32, #tpu.memory_space<vmem_shared>>) offsets(%arg13 : memref<80xi32, #tpu.memory_space<vmem>>) semaphore(%arg26 : memref<!tpu.dma_semaphore, #tpu.memory_space<semaphore_mem>>) {add = true}
      %get3A_193 = arith.constant 0 : index
      %get3A_194 = tpu.vector_load %arg13[%get3A_193] {strides = array<i32>} : memref<80xi32, #tpu.memory_space<vmem>>, vector<16xi32>,
      tpu.vector_store_idx %arg19[%get3A_194], %broadcast_in_dim3A_1 {add = true} : memref<10240xf32, #tpu.memory_space<vmem>>[vector<16xi32>], vector<16xf32>,
      %get3A_195 = arith.constant 16 : index
      %get3A_196 = tpu.vector_load %arg13[%get3A_195] {strides = array<i32>} : memref<80xi32, #tpu.memory_space<vmem>>, vector<16xi32>,
      tpu.vector_store_idx %arg19[%get3A_196], %broadcast_in_dim3A_1 {add = true} : memref<10240xf32, #tpu.memory_space<vmem>>[vector<16xi32>], vector<16xf32>,
      %get3A_197 = arith.constant 32 : index
      %get3A_198 = tpu.vector_load %arg13[%get3A_197] {strides = array<i32>} : memref<80xi32, #tpu.memory_space<vmem>>, vector<16xi32>,
      tpu.vector_store_idx %arg19[%get3A_198], %broadcast_in_dim3A_1 {add = true} : memref<10240xf32, #tpu.memory_space<vmem>>[vector<16xi32>], vector<16xf32>,
      %get3A_199 = arith.constant 48 : index
      %get3A_200 = tpu.vector_load %arg13[%get3A_199] {strides = array<i32>} : memref<80xi32, #tpu.memory_space<vmem>>, vector<16xi32>,
      tpu.vector_store_idx %arg19[%get3A_200], %broadcast_in_dim3A_1 {add = true} : memref<10240xf32, #tpu.memory_space<vmem>>[vector<16xi32>], vector<16xf32>,
      %get3A_201 = arith.constant 64 : index
      %get3A_202 = tpu.vector_load %arg13[%get3A_201] {strides = array<i32>} : memref<80xi32, #tpu.memory_space<vmem>>, vector<16xi32>,
      tpu.vector_store_idx %arg19[%get3A_202], %broadcast_in_dim3A_1 {add = true} : memref<10240xf32, #tpu.memory_space<vmem>>[vector<16xi32>], vector<16xf32>,
      %add3A_203 = arith.constant 2 : i32
      %add3A_204 = arith.addi %add3A_186, %add3A_203 : i32
      %dma_wait3A_205 = arith.constant 0 : i32
      %dma_wait3A_206 = arith.constant 0 : i32
      %dma_wait3A_207 = tpu.memref_slice %arg9[%dma_wait3A_205, %dma_wait3A_206] : memref<10240x128xf32, #tpu.memory_space<vmem_shared>> -> memref<10240x128xf32, #tpu.memory_space<vmem_shared>>
      tpu.wait_indirect_dma semaphore(%arg28 : memref<!tpu.dma_semaphore, #tpu.memory_space<semaphore_mem>>) src(%arg18 : memref<80x128xf32, #tpu.memory_space<vmem>>) dst(%dma_wait3A_207 : memref<10240x128xf32, #tpu.memory_space<vmem_shared>>)
      %mul3A_208 = arith.constant 80 : i32
      %mul3A_209 = arith.muli %add3A_204, %mul3A_208 : i32
      %add3A_210 = arith.addi %multiple_of3A, %mul3A_209 : i32
      %multiple_of3A_211 = tpu.assume_multiple %add3A_210, 8 : i32
      %dma_start3A_212 = tpu.memref_slice %arg3[%multiple_of3A_211] : memref<320000xi32, #tpu.memory_space<hbm>> -> memref<80xi32, #tpu.memory_space<hbm>>
      %dma_start3A_213 = tpu.memref_slice %arg3[%multiple_of3A_211] : memref<320000xi32, #tpu.memory_space<hbm>> -> memref<80xi32, #tpu.memory_space<hbm>>
      tpu.enqueue_dma source(%dma_start3A_213 : memref<80xi32, #tpu.memory_space<hbm>>) target(%arg12 : memref<80xi32, #tpu.memory_space<vmem>>) target_semaphore(%arg22 : memref<!tpu.dma_semaphore, #tpu.memory_space<semaphore_mem>>)
      %dma_start3A_214 = tpu.memref_slice %arg4[%multiple_of3A_211] : memref<320000xi32, #tpu.memory_space<hbm>> -> memref<80xi32, #tpu.memory_space<hbm>>
      %dma_start3A_215 = tpu.memref_slice %arg4[%multiple_of3A_211] : memref<320000xi32, #tpu.memory_space<hbm>> -> memref<80xi32, #tpu.memory_space<hbm>>
      tpu.enqueue_dma source(%dma_start3A_215 : memref<80xi32, #tpu.memory_space<hbm>>) target(%arg15 : memref<80xi32, #tpu.memory_space<vmem>>) target_semaphore(%arg22 : memref<!tpu.dma_semaphore, #tpu.memory_space<semaphore_mem>>)
      %dma_wait3A_216 = tpu.memref_slice %arg3[%multiple_of3A_211] : memref<320000xi32, #tpu.memory_space<hbm>> -> memref<80xi32, #tpu.memory_space<hbm>>
      %dma_wait3A_217 = tpu.memref_slice %arg3[%multiple_of3A_211] : memref<320000xi32, #tpu.memory_space<hbm>> -> memref<80xi32, #tpu.memory_space<hbm>>
      tpu.wait_dma2 semaphore(%arg22 : memref<!tpu.dma_semaphore, #tpu.memory_space<semaphore_mem>>) src(%dma_wait3A_217 : memref<80xi32, #tpu.memory_space<hbm>>) dst(%arg12 : memref<80xi32, #tpu.memory_space<vmem>>)
      %dma_wait3A_218 = tpu.memref_slice %arg4[%multiple_of3A_211] : memref<320000xi32, #tpu.memory_space<hbm>> -> memref<80xi32, #tpu.memory_space<hbm>>
      %dma_wait3A_219 = tpu.memref_slice %arg4[%multiple_of3A_211] : memref<320000xi32, #tpu.memory_space<hbm>> -> memref<80xi32, #tpu.memory_space<hbm>>
      tpu.wait_dma2 semaphore(%arg22 : memref<!tpu.dma_semaphore, #tpu.memory_space<semaphore_mem>>) src(%dma_wait3A_219 : memref<80xi32, #tpu.memory_space<hbm>>) dst(%arg15 : memref<80xi32, #tpu.memory_space<vmem>>)
      %dma_start3A_220 = arith.constant 0 : i32
      %dma_start3A_221 = arith.constant 0 : i32
      %dma_start3A_222 = tpu.memref_slice %arg2[%dma_start3A_220, %dma_start3A_221] : memref<40000x128xf32, #tpu.memory_space<hbm>> -> memref<40000x128xf32, #tpu.memory_space<hbm>>
      tpu.enqueue_indirect_dma source(%dma_start3A_222 : memref<40000x128xf32, #tpu.memory_space<hbm>>) target(%arg18 : memref<80x128xf32, #tpu.memory_space<vmem>>) offsets(%arg12 : memref<80xi32, #tpu.memory_space<vmem>>) semaphore(%arg25 : memref<!tpu.dma_semaphore, #tpu.memory_space<semaphore_mem>>)
      %add3A_223 = arith.constant 1 : i32
      %add3A_224 = arith.addi %add3A_186, %add3A_223 : i32
      %dma_wait3A_225 = arith.constant 0 : i32
      %dma_wait3A_226 = arith.constant 0 : i32
      %dma_wait3A_227 = tpu.memref_slice %arg2[%dma_wait3A_225, %dma_wait3A_226] : memref<40000x128xf32, #tpu.memory_space<hbm>> -> memref<40000x128xf32, #tpu.memory_space<hbm>>
      tpu.wait_indirect_dma semaphore(%arg24 : memref<!tpu.dma_semaphore, #tpu.memory_space<semaphore_mem>>) src(%dma_wait3A_227 : memref<40000x128xf32, #tpu.memory_space<hbm>>) dst(%arg17 : memref<80x128xf32, #tpu.memory_space<vmem>>)
      %dma_start3A_228 = arith.constant 0 : i32
      %dma_start3A_229 = arith.constant 0 : i32
      %dma_start3A_230 = tpu.memref_slice %arg9[%dma_start3A_228, %dma_start3A_229] : memref<10240x128xf32, #tpu.memory_space<vmem_shared>> -> memref<10240x128xf32, #tpu.memory_space<vmem_shared>>
      tpu.enqueue_indirect_dma source(%arg17 : memref<80x128xf32, #tpu.memory_space<vmem>>) target(%dma_start3A_230 : memref<10240x128xf32, #tpu.memory_space<vmem_shared>>) offsets(%arg14 : memref<80xi32, #tpu.memory_space<vmem>>) semaphore(%arg27 : memref<!tpu.dma_semaphore, #tpu.memory_space<semaphore_mem>>) {add = true}
      %get3A_231 = arith.constant 0 : index
      %get3A_232 = tpu.vector_load %arg14[%get3A_231] {strides = array<i32>} : memref<80xi32, #tpu.memory_space<vmem>>, vector<16xi32>,
      tpu.vector_store_idx %arg19[%get3A_232], %broadcast_in_dim3A_1 {add = true} : memref<10240xf32, #tpu.memory_space<vmem>>[vector<16xi32>], vector<16xf32>,
      %get3A_233 = arith.constant 16 : index
      %get3A_234 = tpu.vector_load %arg14[%get3A_233] {strides = array<i32>} : memref<80xi32, #tpu.memory_space<vmem>>, vector<16xi32>,
      tpu.vector_store_idx %arg19[%get3A_234], %broadcast_in_dim3A_1 {add = true} : memref<10240xf32, #tpu.memory_space<vmem>>[vector<16xi32>], vector<16xf32>,
      %get3A_235 = arith.constant 32 : index
      %get3A_236 = tpu.vector_load %arg14[%get3A_235] {strides = array<i32>} : memref<80xi32, #tpu.memory_space<vmem>>, vector<16xi32>,
      tpu.vector_store_idx %arg19[%get3A_236], %broadcast_in_dim3A_1 {add = true} : memref<10240xf32, #tpu.memory_space<vmem>>[vector<16xi32>], vector<16xf32>,
      %get3A_237 = arith.constant 48 : index
      %get3A_238 = tpu.vector_load %arg14[%get3A_237] {strides = array<i32>} : memref<80xi32, #tpu.memory_space<vmem>>, vector<16xi32>,
      tpu.vector_store_idx %arg19[%get3A_238], %broadcast_in_dim3A_1 {add = true} : memref<10240xf32, #tpu.memory_space<vmem>>[vector<16xi32>], vector<16xf32>,
      %get3A_239 = arith.constant 64 : index
      %get3A_240 = tpu.vector_load %arg14[%get3A_239] {strides = array<i32>} : memref<80xi32, #tpu.memory_space<vmem>>, vector<16xi32>,
      tpu.vector_store_idx %arg19[%get3A_240], %broadcast_in_dim3A_1 {add = true} : memref<10240xf32, #tpu.memory_space<vmem>>[vector<16xi32>], vector<16xf32>,
      %add3A_241 = arith.constant 3 : i32
      %add3A_242 = arith.addi %add3A_186, %add3A_241 : i32
      %dma_wait3A_243 = arith.constant 0 : i32
      %dma_wait3A_244 = arith.constant 0 : i32
      %dma_wait3A_245 = tpu.memref_slice %arg9[%dma_wait3A_243, %dma_wait3A_244] : memref<10240x128xf32, #tpu.memory_space<vmem_shared>> -> memref<10240x128xf32, #tpu.memory_space<vmem_shared>>
      tpu.wait_indirect_dma semaphore(%arg26 : memref<!tpu.dma_semaphore, #tpu.memory_space<semaphore_mem>>) src(%arg16 : memref<80x128xf32, #tpu.memory_space<vmem>>) dst(%dma_wait3A_245 : memref<10240x128xf32, #tpu.memory_space<vmem_shared>>)
      %mul3A_246 = arith.constant 80 : i32
      %mul3A_247 = arith.muli %add3A_242, %mul3A_246 : i32
      %add3A_248 = arith.addi %multiple_of3A, %mul3A_247 : i32
      %multiple_of3A_249 = tpu.assume_multiple %add3A_248, 8 : i32
      %dma_start3A_250 = tpu.memref_slice %arg3[%multiple_of3A_249] : memref<320000xi32, #tpu.memory_space<hbm>> -> memref<80xi32, #tpu.memory_space<hbm>>
      %dma_start3A_251 = tpu.memref_slice %arg3[%multiple_of3A_249] : memref<320000xi32, #tpu.memory_space<hbm>> -> memref<80xi32, #tpu.memory_space<hbm>>
      tpu.enqueue_dma source(%dma_start3A_251 : memref<80xi32, #tpu.memory_space<hbm>>) target(%arg10 : memref<80xi32, #tpu.memory_space<vmem>>) target_semaphore(%arg20 : memref<!tpu.dma_semaphore, #tpu.memory_space<semaphore_mem>>)
      %dma_start3A_252 = tpu.memref_slice %arg4[%multiple_of3A_249] : memref<320000xi32, #tpu.memory_space<hbm>> -> memref<80xi32, #tpu.memory_space<hbm>>
      %dma_start3A_253 = tpu.memref_slice %arg4[%multiple_of3A_249] : memref<320000xi32, #tpu.memory_space<hbm>> -> memref<80xi32, #tpu.memory_space<hbm>>
      tpu.enqueue_dma source(%dma_start3A_253 : memref<80xi32, #tpu.memory_space<hbm>>) target(%arg13 : memref<80xi32, #tpu.memory_space<vmem>>) target_semaphore(%arg20 : memref<!tpu.dma_semaphore, #tpu.memory_space<semaphore_mem>>)
      %dma_wait3A_254 = tpu.memref_slice %arg3[%multiple_of3A_249] : memref<320000xi32, #tpu.memory_space<hbm>> -> memref<80xi32, #tpu.memory_space<hbm>>
      %dma_wait3A_255 = tpu.memref_slice %arg3[%multiple_of3A_249] : memref<320000xi32, #tpu.memory_space<hbm>> -> memref<80xi32, #tpu.memory_space<hbm>>
      tpu.wait_dma2 semaphore(%arg20 : memref<!tpu.dma_semaphore, #tpu.memory_space<semaphore_mem>>) src(%dma_wait3A_255 : memref<80xi32, #tpu.memory_space<hbm>>) dst(%arg10 : memref<80xi32, #tpu.memory_space<vmem>>)
      %dma_wait3A_256 = tpu.memref_slice %arg4[%multiple_of3A_249] : memref<320000xi32, #tpu.memory_space<hbm>> -> memref<80xi32, #tpu.memory_space<hbm>>
      %dma_wait3A_257 = tpu.memref_slice %arg4[%multiple_of3A_249] : memref<320000xi32, #tpu.memory_space<hbm>> -> memref<80xi32, #tpu.memory_space<hbm>>
      tpu.wait_dma2 semaphore(%arg20 : memref<!tpu.dma_semaphore, #tpu.memory_space<semaphore_mem>>) src(%dma_wait3A_257 : memref<80xi32, #tpu.memory_space<hbm>>) dst(%arg13 : memref<80xi32, #tpu.memory_space<vmem>>)
      %dma_start3A_258 = arith.constant 0 : i32
      %dma_start3A_259 = arith.constant 0 : i32
      %dma_start3A_260 = tpu.memref_slice %arg2[%dma_start3A_258, %dma_start3A_259] : memref<40000x128xf32, #tpu.memory_space<hbm>> -> memref<40000x128xf32, #tpu.memory_space<hbm>>
      tpu.enqueue_indirect_dma source(%dma_start3A_260 : memref<40000x128xf32, #tpu.memory_space<hbm>>) target(%arg16 : memref<80x128xf32, #tpu.memory_space<vmem>>) offsets(%arg10 : memref<80xi32, #tpu.memory_space<vmem>>) semaphore(%arg23 : memref<!tpu.dma_semaphore, #tpu.memory_space<semaphore_mem>>)
      %add3A_261 = arith.constant 2 : i32
      %add3A_262 = arith.addi %add3A_186, %add3A_261 : i32
      %dma_wait3A_263 = arith.constant 0 : i32
      %dma_wait3A_264 = arith.constant 0 : i32
      %dma_wait3A_265 = tpu.memref_slice %arg2[%dma_wait3A_263, %dma_wait3A_264] : memref<40000x128xf32, #tpu.memory_space<hbm>> -> memref<40000x128xf32, #tpu.memory_space<hbm>>
      tpu.wait_indirect_dma semaphore(%arg25 : memref<!tpu.dma_semaphore, #tpu.memory_space<semaphore_mem>>) src(%dma_wait3A_265 : memref<40000x128xf32, #tpu.memory_space<hbm>>) dst(%arg18 : memref<80x128xf32, #tpu.memory_space<vmem>>)
      %dma_start3A_266 = arith.constant 0 : i32
      %dma_start3A_267 = arith.constant 0 : i32
      %dma_start3A_268 = tpu.memref_slice %arg9[%dma_start3A_266, %dma_start3A_267] : memref<10240x128xf32, #tpu.memory_space<vmem_shared>> -> memref<10240x128xf32, #tpu.memory_space<vmem_shared>>
      tpu.enqueue_indirect_dma source(%arg18 : memref<80x128xf32, #tpu.memory_space<vmem>>) target(%dma_start3A_268 : memref<10240x128xf32, #tpu.memory_space<vmem_shared>>) offsets(%arg15 : memref<80xi32, #tpu.memory_space<vmem>>) semaphore(%arg28 : memref<!tpu.dma_semaphore, #tpu.memory_space<semaphore_mem>>) {add = true}
      %get3A_269 = arith.constant 0 : index
      %get3A_270 = tpu.vector_load %arg15[%get3A_269] {strides = array<i32>} : memref<80xi32, #tpu.memory_space<vmem>>, vector<16xi32>,
      tpu.vector_store_idx %arg19[%get3A_270], %broadcast_in_dim3A_1 {add = true} : memref<10240xf32, #tpu.memory_space<vmem>>[vector<16xi32>], vector<16xf32>,
      %get3A_271 = arith.constant 16 : index
      %get3A_272 = tpu.vector_load %arg15[%get3A_271] {strides = array<i32>} : memref<80xi32, #tpu.memory_space<vmem>>, vector<16xi32>,
      tpu.vector_store_idx %arg19[%get3A_272], %broadcast_in_dim3A_1 {add = true} : memref<10240xf32, #tpu.memory_space<vmem>>[vector<16xi32>], vector<16xf32>,
      %get3A_273 = arith.constant 32 : index
      %get3A_274 = tpu.vector_load %arg15[%get3A_273] {strides = array<i32>} : memref<80xi32, #tpu.memory_space<vmem>>, vector<16xi32>,
      tpu.vector_store_idx %arg19[%get3A_274], %broadcast_in_dim3A_1 {add = true} : memref<10240xf32, #tpu.memory_space<vmem>>[vector<16xi32>], vector<16xf32>,
      %get3A_275 = arith.constant 48 : index
      %get3A_276 = tpu.vector_load %arg15[%get3A_275] {strides = array<i32>} : memref<80xi32, #tpu.memory_space<vmem>>, vector<16xi32>,
      tpu.vector_store_idx %arg19[%get3A_276], %broadcast_in_dim3A_1 {add = true} : memref<10240xf32, #tpu.memory_space<vmem>>[vector<16xi32>], vector<16xf32>,
      %get3A_277 = arith.constant 64 : index
      %get3A_278 = tpu.vector_load %arg15[%get3A_277] {strides = array<i32>} : memref<80xi32, #tpu.memory_space<vmem>>, vector<16xi32>,
      tpu.vector_store_idx %arg19[%get3A_278], %broadcast_in_dim3A_1 {add = true} : memref<10240xf32, #tpu.memory_space<vmem>>[vector<16xi32>], vector<16xf32>,
      %add3A_279 = arith.constant 4 : i32
      %add3A_280 = arith.addi %add3A_186, %add3A_279 : i32
      %dma_wait3A_281 = arith.constant 0 : i32
      %dma_wait3A_282 = arith.constant 0 : i32
      %dma_wait3A_283 = tpu.memref_slice %arg9[%dma_wait3A_281, %dma_wait3A_282] : memref<10240x128xf32, #tpu.memory_space<vmem_shared>> -> memref<10240x128xf32, #tpu.memory_space<vmem_shared>>
      tpu.wait_indirect_dma semaphore(%arg27 : memref<!tpu.dma_semaphore, #tpu.memory_space<semaphore_mem>>) src(%arg17 : memref<80x128xf32, #tpu.memory_space<vmem>>) dst(%dma_wait3A_283 : memref<10240x128xf32, #tpu.memory_space<vmem_shared>>)
      %mul3A_284 = arith.constant 80 : i32
      %mul3A_285 = arith.muli %add3A_280, %mul3A_284 : i32
      %add3A_286 = arith.addi %multiple_of3A, %mul3A_285 : i32
      %multiple_of3A_287 = tpu.assume_multiple %add3A_286, 8 : i32
      %dma_start3A_288 = tpu.memref_slice %arg3[%multiple_of3A_287] : memref<320000xi32, #tpu.memory_space<hbm>> -> memref<80xi32, #tpu.memory_space<hbm>>
      %dma_start3A_289 = tpu.memref_slice %arg3[%multiple_of3A_287] : memref<320000xi32, #tpu.memory_space<hbm>> -> memref<80xi32, #tpu.memory_space<hbm>>
      tpu.enqueue_dma source(%dma_start3A_289 : memref<80xi32, #tpu.memory_space<hbm>>) target(%arg11 : memref<80xi32, #tpu.memory_space<vmem>>) target_semaphore(%arg21 : memref<!tpu.dma_semaphore, #tpu.memory_space<semaphore_mem>>)
      %dma_start3A_290 = tpu.memref_slice %arg4[%multiple_of3A_287] : memref<320000xi32, #tpu.memory_space<hbm>> -> memref<80xi32, #tpu.memory_space<hbm>>
      %dma_start3A_291 = tpu.memref_slice %arg4[%multiple_of3A_287] : memref<320000xi32, #tpu.memory_space<hbm>> -> memref<80xi32, #tpu.memory_space<hbm>>
      tpu.enqueue_dma source(%dma_start3A_291 : memref<80xi32, #tpu.memory_space<hbm>>) target(%arg14 : memref<80xi32, #tpu.memory_space<vmem>>) target_semaphore(%arg21 : memref<!tpu.dma_semaphore, #tpu.memory_space<semaphore_mem>>)
      %dma_wait3A_292 = tpu.memref_slice %arg3[%multiple_of3A_287] : memref<320000xi32, #tpu.memory_space<hbm>> -> memref<80xi32, #tpu.memory_space<hbm>>
      %dma_wait3A_293 = tpu.memref_slice %arg3[%multiple_of3A_287] : memref<320000xi32, #tpu.memory_space<hbm>> -> memref<80xi32, #tpu.memory_space<hbm>>
      tpu.wait_dma2 semaphore(%arg21 : memref<!tpu.dma_semaphore, #tpu.memory_space<semaphore_mem>>) src(%dma_wait3A_293 : memref<80xi32, #tpu.memory_space<hbm>>) dst(%arg11 : memref<80xi32, #tpu.memory_space<vmem>>)
      %dma_wait3A_294 = tpu.memref_slice %arg4[%multiple_of3A_287] : memref<320000xi32, #tpu.memory_space<hbm>> -> memref<80xi32, #tpu.memory_space<hbm>>
      %dma_wait3A_295 = tpu.memref_slice %arg4[%multiple_of3A_287] : memref<320000xi32, #tpu.memory_space<hbm>> -> memref<80xi32, #tpu.memory_space<hbm>>
      tpu.wait_dma2 semaphore(%arg21 : memref<!tpu.dma_semaphore, #tpu.memory_space<semaphore_mem>>) src(%dma_wait3A_295 : memref<80xi32, #tpu.memory_space<hbm>>) dst(%arg14 : memref<80xi32, #tpu.memory_space<vmem>>)
      %dma_start3A_296 = arith.constant 0 : i32
      %dma_start3A_297 = arith.constant 0 : i32
      %dma_start3A_298 = tpu.memref_slice %arg2[%dma_start3A_296, %dma_start3A_297] : memref<40000x128xf32, #tpu.memory_space<hbm>> -> memref<40000x128xf32, #tpu.memory_space<hbm>>
      tpu.enqueue_indirect_dma source(%dma_start3A_298 : memref<40000x128xf32, #tpu.memory_space<hbm>>) target(%arg17 : memref<80x128xf32, #tpu.memory_space<vmem>>) offsets(%arg11 : memref<80xi32, #tpu.memory_space<vmem>>) semaphore(%arg24 : memref<!tpu.dma_semaphore, #tpu.memory_space<semaphore_mem>>)
    }
    %scan3A_130 = arith.constant 40 : i32
    %dma_wait3A_131 = arith.constant 0 : i32
    %dma_wait3A_132 = arith.constant 0 : i32
    %dma_wait3A_133 = tpu.memref_slice %arg2[%dma_wait3A_131, %dma_wait3A_132] : memref<40000x128xf32, #tpu.memory_space<hbm>> -> memref<40000x128xf32, #tpu.memory_space<hbm>>
    tpu.wait_indirect_dma semaphore(%arg23 : memref<!tpu.dma_semaphore, #tpu.memory_space<semaphore_mem>>) src(%dma_wait3A_133 : memref<40000x128xf32, #tpu.memory_space<hbm>>) dst(%arg16 : memref<80x128xf32, #tpu.memory_space<vmem>>)
    %dma_start3A_134 = arith.constant 0 : i32
    %dma_start3A_135 = arith.constant 0 : i32
    %dma_start3A_136 = tpu.memref_slice %arg9[%dma_start3A_134, %dma_start3A_135] : memref<10240x128xf32, #tpu.memory_space<vmem_shared>> -> memref<10240x128xf32, #tpu.memory_space<vmem_shared>>
    tpu.enqueue_indirect_dma source(%arg16 : memref<80x128xf32, #tpu.memory_space<vmem>>) target(%dma_start3A_136 : memref<10240x128xf32, #tpu.memory_space<vmem_shared>>) offsets(%arg13 : memref<80xi32, #tpu.memory_space<vmem>>) semaphore(%arg26 : memref<!tpu.dma_semaphore, #tpu.memory_space<semaphore_mem>>) {add = true}
    %get3A_137 = arith.constant 0 : index
    %get3A_138 = tpu.vector_load %arg13[%get3A_137] {strides = array<i32>} : memref<80xi32, #tpu.memory_space<vmem>>, vector<16xi32>,
    tpu.vector_store_idx %arg19[%get3A_138], %broadcast_in_dim3A_1 {add = true} : memref<10240xf32, #tpu.memory_space<vmem>>[vector<16xi32>], vector<16xf32>,
    %get3A_139 = arith.constant 16 : index
    %get3A_140 = tpu.vector_load %arg13[%get3A_139] {strides = array<i32>} : memref<80xi32, #tpu.memory_space<vmem>>, vector<16xi32>,
    tpu.vector_store_idx %arg19[%get3A_140], %broadcast_in_dim3A_1 {add = true} : memref<10240xf32, #tpu.memory_space<vmem>>[vector<16xi32>], vector<16xf32>,
    %get3A_141 = arith.constant 32 : index
    %get3A_142 = tpu.vector_load %arg13[%get3A_141] {strides = array<i32>} : memref<80xi32, #tpu.memory_space<vmem>>, vector<16xi32>,
    tpu.vector_store_idx %arg19[%get3A_142], %broadcast_in_dim3A_1 {add = true} : memref<10240xf32, #tpu.memory_space<vmem>>[vector<16xi32>], vector<16xf32>,
    %get3A_143 = arith.constant 48 : index
    %get3A_144 = tpu.vector_load %arg13[%get3A_143] {strides = array<i32>} : memref<80xi32, #tpu.memory_space<vmem>>, vector<16xi32>,
    tpu.vector_store_idx %arg19[%get3A_144], %broadcast_in_dim3A_1 {add = true} : memref<10240xf32, #tpu.memory_space<vmem>>[vector<16xi32>], vector<16xf32>,
    %get3A_145 = arith.constant 64 : index
    %get3A_146 = tpu.vector_load %arg13[%get3A_145] {strides = array<i32>} : memref<80xi32, #tpu.memory_space<vmem>>, vector<16xi32>,
    tpu.vector_store_idx %arg19[%get3A_146], %broadcast_in_dim3A_1 {add = true} : memref<10240xf32, #tpu.memory_space<vmem>>[vector<16xi32>], vector<16xf32>,
    %dma_wait3A_147 = arith.constant 0 : i32
    %dma_wait3A_148 = arith.constant 0 : i32
    %dma_wait3A_149 = tpu.memref_slice %arg2[%dma_wait3A_147, %dma_wait3A_148] : memref<40000x128xf32, #tpu.memory_space<hbm>> -> memref<40000x128xf32, #tpu.memory_space<hbm>>
    tpu.wait_indirect_dma semaphore(%arg24 : memref<!tpu.dma_semaphore, #tpu.memory_space<semaphore_mem>>) src(%dma_wait3A_149 : memref<40000x128xf32, #tpu.memory_space<hbm>>) dst(%arg17 : memref<80x128xf32, #tpu.memory_space<vmem>>)
    %dma_start3A_150 = arith.constant 0 : i32
    %dma_start3A_151 = arith.constant 0 : i32
    %dma_start3A_152 = tpu.memref_slice %arg9[%dma_start3A_150, %dma_start3A_151] : memref<10240x128xf32, #tpu.memory_space<vmem_shared>> -> memref<10240x128xf32, #tpu.memory_space<vmem_shared>>
    tpu.enqueue_indirect_dma source(%arg17 : memref<80x128xf32, #tpu.memory_space<vmem>>) target(%dma_start3A_152 : memref<10240x128xf32, #tpu.memory_space<vmem_shared>>) offsets(%arg14 : memref<80xi32, #tpu.memory_space<vmem>>) semaphore(%arg27 : memref<!tpu.dma_semaphore, #tpu.memory_space<semaphore_mem>>) {add = true}
    %get3A_153 = arith.constant 0 : index
    %get3A_154 = tpu.vector_load %arg14[%get3A_153] {strides = array<i32>} : memref<80xi32, #tpu.memory_space<vmem>>, vector<16xi32>,
    tpu.vector_store_idx %arg19[%get3A_154], %broadcast_in_dim3A_1 {add = true} : memref<10240xf32, #tpu.memory_space<vmem>>[vector<16xi32>], vector<16xf32>,
    %get3A_155 = arith.constant 16 : index
    %get3A_156 = tpu.vector_load %arg14[%get3A_155] {strides = array<i32>} : memref<80xi32, #tpu.memory_space<vmem>>, vector<16xi32>,
    tpu.vector_store_idx %arg19[%get3A_156], %broadcast_in_dim3A_1 {add = true} : memref<10240xf32, #tpu.memory_space<vmem>>[vector<16xi32>], vector<16xf32>,
    %get3A_157 = arith.constant 32 : index
    %get3A_158 = tpu.vector_load %arg14[%get3A_157] {strides = array<i32>} : memref<80xi32, #tpu.memory_space<vmem>>, vector<16xi32>,
    tpu.vector_store_idx %arg19[%get3A_158], %broadcast_in_dim3A_1 {add = true} : memref<10240xf32, #tpu.memory_space<vmem>>[vector<16xi32>], vector<16xf32>,
    %get3A_159 = arith.constant 48 : index
    %get3A_160 = tpu.vector_load %arg14[%get3A_159] {strides = array<i32>} : memref<80xi32, #tpu.memory_space<vmem>>, vector<16xi32>,
    tpu.vector_store_idx %arg19[%get3A_160], %broadcast_in_dim3A_1 {add = true} : memref<10240xf32, #tpu.memory_space<vmem>>[vector<16xi32>], vector<16xf32>,
    %get3A_161 = arith.constant 64 : index
    %get3A_162 = tpu.vector_load %arg14[%get3A_161] {strides = array<i32>} : memref<80xi32, #tpu.memory_space<vmem>>, vector<16xi32>,
    tpu.vector_store_idx %arg19[%get3A_162], %broadcast_in_dim3A_1 {add = true} : memref<10240xf32, #tpu.memory_space<vmem>>[vector<16xi32>], vector<16xf32>,
    %dma_wait3A_163 = arith.constant 0 : i32
    %dma_wait3A_164 = arith.constant 0 : i32
    %dma_wait3A_165 = tpu.memref_slice %arg9[%dma_wait3A_163, %dma_wait3A_164] : memref<10240x128xf32, #tpu.memory_space<vmem_shared>> -> memref<10240x128xf32, #tpu.memory_space<vmem_shared>>
    tpu.wait_indirect_dma semaphore(%arg26 : memref<!tpu.dma_semaphore, #tpu.memory_space<semaphore_mem>>) src(%arg16 : memref<80x128xf32, #tpu.memory_space<vmem>>) dst(%dma_wait3A_165 : memref<10240x128xf32, #tpu.memory_space<vmem_shared>>)
    %dma_wait3A_166 = arith.constant 0 : i32
    %dma_wait3A_167 = arith.constant 0 : i32
    %dma_wait3A_168 = tpu.memref_slice %arg9[%dma_wait3A_166, %dma_wait3A_167] : memref<10240x128xf32, #tpu.memory_space<vmem_shared>> -> memref<10240x128xf32, #tpu.memory_space<vmem_shared>>
    tpu.wait_indirect_dma semaphore(%arg27 : memref<!tpu.dma_semaphore, #tpu.memory_space<semaphore_mem>>) src(%arg17 : memref<80x128xf32, #tpu.memory_space<vmem>>) dst(%dma_wait3A_168 : memref<10240x128xf32, #tpu.memory_space<vmem_shared>>)
    %dma_wait3A_169 = arith.constant 0 : i32
    %dma_wait3A_170 = arith.constant 0 : i32
    %dma_wait3A_171 = tpu.memref_slice %arg9[%dma_wait3A_169, %dma_wait3A_170] : memref<10240x128xf32, #tpu.memory_space<vmem_shared>> -> memref<10240x128xf32, #tpu.memory_space<vmem_shared>>
    tpu.wait_indirect_dma semaphore(%arg28 : memref<!tpu.dma_semaphore, #tpu.memory_space<semaphore_mem>>) src(%arg18 : memref<80x128xf32, #tpu.memory_space<vmem>>) dst(%dma_wait3A_171 : memref<10240x128xf32, #tpu.memory_space<vmem_shared>>)
    %barrier3A_172 = arith.constant 0 : index
    tpu.barrier barrier_id(%barrier3A_172)
    %mul3A_173 = arith.constant 640 : i32
    %mul3A_174 = arith.muli %arg1, %mul3A_173 : i32
    %mul3A_175 = arith.constant 10240 : i32
    %mul3A_176 = arith.muli %arg0, %mul3A_175 : i32
    %mul3A_177 = arith.constant 640 : i32
    %mul3A_178 = arith.muli %arg1, %mul3A_177 : i32
    %add3A_179 = arith.addi %mul3A_176, %mul3A_178 : i32
    "tpu.region"() ({
      %run_scoped3A = tpu.sem_alloc : memref<!tpu.dma_semaphore, #tpu.memory_space<semaphore_mem>>
      %dma_start3A_182 = arith.constant 0 : i32
      %dma_start3A_183 = tpu.memref_slice %arg7[%add3A_179, %dma_start3A_182] : memref<20480x128xf32, #tpu.memory_space<hbm>> -> memref<640x128xf32, #tpu.memory_space<hbm>>
      %dma_start3A_184 = arith.constant 0 : i32
      %dma_start3A_185 = tpu.memref_slice %arg9[%mul3A_174, %dma_start3A_184] : memref<10240x128xf32, #tpu.memory_space<vmem_shared>> -> memref<640x128xf32, #tpu.memory_space<vmem_shared>>
      tpu.enqueue_dma source(%dma_start3A_185 : memref<640x128xf32, #tpu.memory_space<vmem_shared>>) target(%dma_start3A_183 : memref<640x128xf32, #tpu.memory_space<hbm>>) target_semaphore(%run_scoped3A : memref<!tpu.dma_semaphore, #tpu.memory_space<semaphore_mem>>)
      %dma_wait3A_186 = arith.constant 0 : i32
      %dma_wait3A_187 = tpu.memref_slice %arg7[%add3A_179, %dma_wait3A_186] : memref<20480x128xf32, #tpu.memory_space<hbm>> -> memref<640x128xf32, #tpu.memory_space<hbm>>
      %dma_wait3A_188 = arith.constant 0 : i32
      %dma_wait3A_189 = tpu.memref_slice %arg9[%mul3A_174, %dma_wait3A_188] : memref<10240x128xf32, #tpu.memory_space<vmem_shared>> -> memref<640x128xf32, #tpu.memory_space<vmem_shared>>
      tpu.wait_dma2 semaphore(%run_scoped3A : memref<!tpu.dma_semaphore, #tpu.memory_space<semaphore_mem>>) src(%dma_wait3A_189 : memref<640x128xf32, #tpu.memory_space<vmem_shared>>) dst(%dma_wait3A_187 : memref<640x128xf32, #tpu.memory_space<hbm>>)
      tpu.yield
    }) : () -> ()
    %mul3A_180 = arith.constant 10240 : i32
    %mul3A_181 = arith.muli %add3A, %mul3A_180 : i32
    "tpu.region"() ({
      %run_scoped3A = tpu.sem_alloc : memref<!tpu.dma_semaphore, #tpu.memory_space<semaphore_mem>>
      %dma_start3A_182 = tpu.memref_slice %arg8[%mul3A_181] : memref<327680xf32, #tpu.memory_space<hbm>> -> memref<10240xf32, #tpu.memory_space<hbm>>
      %dma_start3A_183 = tpu.memref_slice %arg8[%mul3A_181] : memref<327680xf32, #tpu.memory_space<hbm>> -> memref<10240xf32, #tpu.memory_space<hbm>>
      tpu.enqueue_dma source(%arg19 : memref<10240xf32, #tpu.memory_space<vmem>>) target(%dma_start3A_183 : memref<10240xf32, #tpu.memory_space<hbm>>) target_semaphore(%run_scoped3A : memref<!tpu.dma_semaphore, #tpu.memory_space<semaphore_mem>>)
      %dma_wait3A_184 = tpu.memref_slice %arg8[%mul3A_181] : memref<327680xf32, #tpu.memory_space<hbm>> -> memref<10240xf32, #tpu.memory_space<hbm>>
      %dma_wait3A_185 = tpu.memref_slice %arg8[%mul3A_181] : memref<327680xf32, #tpu.memory_space<hbm>> -> memref<10240xf32, #tpu.memory_space<hbm>>
      tpu.wait_dma2 semaphore(%run_scoped3A : memref<!tpu.dma_semaphore, #tpu.memory_space<semaphore_mem>>) src(%arg19 : memref<10240xf32, #tpu.memory_space<vmem>>) dst(%dma_wait3A_185 : memref<10240xf32, #tpu.memory_space<hbm>>)
      tpu.yield
    }) : () -> ()
    return
  }
}

module attributes {stable_mosaic.version = 14 : i64} {
  func.func @_mm_body(%arg0: i32, %arg1: i32, %arg2: memref<1000x128xf32, #tpu.memory_space<vmem>>, %arg3: memref<1x128x128xf32, #tpu.memory_space<vmem>>, %arg4: memref<1x1x128xf32, #tpu.memory_space<vmem>>, %arg5: memref<1x1000x128xf32, #tpu.memory_space<vmem>>) attributes {dimension_semantics = [#tpu.dimension_semantics<arbitrary>, #tpu.dimension_semantics<arbitrary>], iteration_bounds = array<i64: 4, 10>, scalar_prefetch = 0 : i64, scratch_operands = 0 : i64, tpu.core_type = #tpu.core_type<tc>, window_params = [{transform_indices = @transform_0, window_bounds = array<i64: 1000, 128>}, {transform_indices = @transform_1, window_bounds = array<i64: 1, 128, 128>}, {transform_indices = @transform_2, window_bounds = array<i64: 1, 1, 128>}, {transform_indices = @transform_3, window_bounds = array<i64: 1, 1000, 128>}]} {
    %get3A = arith.constant 0 : index
    %get3A_0 = arith.constant 0 : index
    %get3A_1 = vector.load %arg2[%get3A, %get3A_0] : memref<1000x128xf32, #tpu.memory_space<vmem>>, vector<1000x128xf32>
    %get3A_2 = arith.constant 0 : index
    %get3A_3 = arith.constant 0 : index
    %get3A_4 = arith.constant 0 : index
    %get3A_5 = vector.load %arg3[%get3A_2, %get3A_3, %get3A_4] : memref<1x128x128xf32, #tpu.memory_space<vmem>>, vector<1x128x128xf32>
    %get3A_6 = vector.shape_cast %get3A_5 : vector<1x128x128xf32> to vector<128x128xf32>
    %dot_general3A = arith.constant dense<0.000000e+00> : vector<1000x128xf32>
    %dot_general3A_7 = tpu.matmul %get3A_1, %get3A_6, %dot_general3A {dimension_numbers = #tpu.dot_dimension_numbers<[1], [1], [0], [0], [0, 0, 1, 0], [], []>, transpose_lhs_hint = false} : vector<1000x128xf32>, vector<128x128xf32>, vector<1000x128xf32> -> vector<1000x128xf32>
    %get3A_8 = arith.constant 0 : index
    %get3A_9 = arith.constant 0 : index
    %get3A_10 = arith.constant 0 : index
    %get3A_11 = vector.load %arg4[%get3A_8, %get3A_9, %get3A_10] : memref<1x1x128xf32, #tpu.memory_space<vmem>>, vector<1x1x128xf32>
    %get3A_12 = vector.shape_cast %get3A_11 : vector<1x1x128xf32> to vector<1x128xf32>
    %add3A = vector.broadcast %get3A_12 : vector<1x128xf32> to vector<1000x128xf32>
    %add3A_13 = arith.addf %dot_general3A_7, %add3A : vector<1000x128xf32>
    %swap3A = arith.constant 0 : index
    %swap3A_14 = arith.constant 0 : index
    %swap3A_15 = arith.constant 0 : index
    %swap3A_16 = vector.load %arg5[%swap3A, %swap3A_14, %swap3A_15] : memref<1x1000x128xf32, #tpu.memory_space<vmem>>, vector<1x1000x128xf32>
    %swap3A_17 = vector.shape_cast %swap3A_16 : vector<1x1000x128xf32> to vector<1000x128xf32>
    %swap3A_18 = vector.shape_cast %add3A_13 : vector<1000x128xf32> to vector<1x1000x128xf32>
    tpu.vector_store %arg5[%swap3A, %swap3A_14, %swap3A_15], %swap3A_18 {strides = array<i32>} : memref<1x1000x128xf32, #tpu.memory_space<vmem>>, vector<1x1000x128xf32>,
    return
  }
  func.func @transform_0(%arg0: i32, %arg1: i32) -> (i32, i32) {
    %c0_i32 = arith.constant 0 : i32
    %c0_i32_0 = arith.constant 0 : i32
    return %arg1, %c0_i32 : i32, i32
  }
  func.func @transform_1(%arg0: i32, %arg1: i32) -> (i32, i32, i32) {
    %c0_i32 = arith.constant 0 : i32
    %c0_i32_0 = arith.constant 0 : i32
    %c0_i32_1 = arith.constant 0 : i32
    return %arg0, %c0_i32, %c0_i32_0 : i32, i32, i32
  }
  func.func @transform_2(%arg0: i32, %arg1: i32) -> (i32, i32, i32) {
    %c0_i32 = arith.constant 0 : i32
    %c0_i32_0 = arith.constant 0 : i32
    %c0_i32_1 = arith.constant 0 : i32
    return %arg0, %c0_i32, %c0_i32_0 : i32, i32, i32
  }
  func.func @transform_3(%arg0: i32, %arg1: i32) -> (i32, i32, i32) {
    %c0_i32 = arith.constant 0 : i32
    %c0_i32_0 = arith.constant 0 : i32
    return %arg0, %arg1, %c0_i32 : i32, i32, i32
  }
}

module attributes {stable_mosaic.version = 14 : i64} {
  func.func @_comb_body(%arg0: i32, %arg1: memref<2x1280x128xf32, #tpu.memory_space<vmem>>, %arg2: memref<32x80x128xf32, #tpu.memory_space<vmem>>, %arg3: memref<1280x128xf32, #tpu.memory_space<vmem>>) attributes {dimension_semantics = [#tpu.dimension_semantics<arbitrary>], iteration_bounds = array<i64: 8>, scalar_prefetch = 0 : i64, scratch_operands = 0 : i64, tpu.core_type = #tpu.core_type<tc>, window_params = [{transform_indices = @transform_0, window_bounds = array<i64: 2, 1280, 128>}, {pipeline_mode = #tpu.pipeline_mode<synchronous>, transform_indices = @transform_1, window_bounds = array<i64: 32, 80, 128>}, {transform_indices = @transform_2, window_bounds = array<i64: 1280, 128>}]} {
    %get3A = arith.constant 0 : index
    %get3A_0 = arith.constant 0 : index
    %get3A_1 = arith.constant 0 : index
    %get3A_2 = vector.load %arg1[%get3A, %get3A_0, %get3A_1] : memref<2x1280x128xf32, #tpu.memory_space<vmem>>, vector<1x1280x128xf32>
    %get3A_3 = vector.shape_cast %get3A_2 : vector<1x1280x128xf32> to vector<1280x128xf32>
    %get3A_4 = arith.constant 1 : index
    %get3A_5 = arith.constant 0 : index
    %get3A_6 = arith.constant 0 : index
    %get3A_7 = vector.load %arg1[%get3A_4, %get3A_5, %get3A_6] : memref<2x1280x128xf32, #tpu.memory_space<vmem>>, vector<1x1280x128xf32>
    %get3A_8 = vector.shape_cast %get3A_7 : vector<1x1280x128xf32> to vector<1280x128xf32>
    %add3A = arith.addf %get3A_3, %get3A_8 : vector<1280x128xf32>
    %mul3A = arith.constant 10 : i32
    %mul3A_9 = arith.muli %arg0, %mul3A : i32
    %get3A_10 = arith.constant 0 : index
    %get3A_11 = arith.index_cast %mul3A_9 : i32 to index
    %get3A_12 = arith.constant 0 : index
    %get3A_13 = vector.load %arg2[%get3A_10, %get3A_11, %get3A_12] : memref<32x80x128xf32, #tpu.memory_space<vmem>>, vector<32x10x128xf32>
    %reduce_sum3A = arith.constant dense<0.000000e+00> : vector<10x128xf32>
    %reduce_sum3A_14 = vector.multi_reduction <add>, %get3A_13, %reduce_sum3A [0] : vector<32x10x128xf32> to vector<10x128xf32>
    %eq3A = arith.constant 0.000000e+00 : f32
    %eq3A_15 = vector.broadcast %eq3A : f32 to vector<10x128xf32>
    %eq3A_16 = arith.cmpf oeq, %reduce_sum3A_14, %eq3A_15 : vector<10x128xf32>
    %jit3A = arith.constant 1.000000e+00 : f32
    %broadcast_in_dim3A = vector.broadcast %jit3A : f32 to vector<10x128xf32>
    %select_n3A = arith.select %eq3A_16, %broadcast_in_dim3A, %reduce_sum3A_14 : vector<10x128xi1>, vector<10x128xf32>
    %add3A_17 = arith.constant 9.99999993E-9 : f32
    %add3A_18 = vector.broadcast %add3A_17 : f32 to vector<10x128xf32>
    %add3A_19 = arith.addf %select_n3A, %add3A_18 : vector<10x128xf32>
    %div3A = arith.constant 1.000000e+00 : f32
    %div3A_20 = vector.broadcast %div3A : f32 to vector<10x128xf32>
    %div3A_21 = arith.divf %div3A_20, %add3A_19 : vector<10x128xf32>
    %broadcast_in_dim3A_22 = vector.shape_cast %div3A_21 : vector<10x128xf32> to vector<10x1x128xf32>
    %broadcast_in_dim3A_23 = vector.shape_cast %broadcast_in_dim3A_22 : vector<10x1x128xf32> to vector<10x1x128xf32>
    %broadcast_in_dim3A_24 = vector.broadcast %broadcast_in_dim3A_23 : vector<10x1x128xf32> to vector<10x128x128xf32>
    %reshape3A = vector.shape_cast %broadcast_in_dim3A_24 : vector<10x128x128xf32> to vector<1280x128xf32>
    %iota3A = tpu.iota {dimensions = array<i32: 0>} : vector<1280x128xi32>
    %iota3A_25 = tpu.iota {dimensions = array<i32: 1>} : vector<1280x128xi32>
    %rem3A = arith.constant 128 : i32
    %rem3A_26 = vector.broadcast %rem3A : i32 to vector<1280x128xi32>
    %rem3A_27 = arith.remsi %iota3A, %rem3A_26 : vector<1280x128xi32>
    %eq3A_28 = arith.cmpi eq, %rem3A_27, %iota3A_25 : vector<1280x128xi32>
    %jit3A_29 = arith.constant 0.000000e+00 : f32
    %broadcast_in_dim3A_30 = vector.broadcast %jit3A_29 : f32 to vector<1280x128xf32>
    %select_n3A_31 = arith.select %eq3A_28, %reshape3A, %broadcast_in_dim3A_30 : vector<1280x128xi1>, vector<1280x128xf32>
    %reduce_sum3A_32 = arith.constant dense<0.000000e+00> : vector<1280xf32>
    %reduce_sum3A_33 = vector.multi_reduction <add>, %select_n3A_31, %reduce_sum3A_32 [1] : vector<1280x128xf32> to vector<1280xf32>
    %broadcast_in_dim3A_34 = vector.shape_cast %reduce_sum3A_33 : vector<1280xf32> to vector<1280x1xf32>
    %mul3A_35 = vector.broadcast %broadcast_in_dim3A_34 : vector<1280x1xf32> to vector<1280x128xf32>
    %mul3A_36 = arith.mulf %add3A, %mul3A_35 : vector<1280x128xf32>
    %swap3A = arith.constant 0 : index
    %swap3A_37 = arith.constant 0 : index
    %swap3A_38 = vector.load %arg3[%swap3A, %swap3A_37] : memref<1280x128xf32, #tpu.memory_space<vmem>>, vector<1280x128xf32>
    tpu.vector_store %arg3[%swap3A, %swap3A_37], %mul3A_36 {strides = array<i32>} : memref<1280x128xf32, #tpu.memory_space<vmem>>, vector<1280x128xf32>,
    return
  }
  func.func @transform_0(%arg0: i32) -> (i32, i32, i32) {
    %c0_i32 = arith.constant 0 : i32
    %c0_i32_0 = arith.constant 0 : i32
    %c0_i32_1 = arith.constant 0 : i32
    return %c0_i32, %arg0, %c0_i32_0 : i32, i32, i32
  }
  func.func @transform_1(%arg0: i32) -> (i32, i32, i32) {
    %c0_i32 = arith.constant 0 : i32
    %c0_i32_0 = arith.constant 0 : i32
    %c0_i32_1 = arith.constant 0 : i32
    %c0_i32_2 = arith.constant 0 : i32
    return %c0_i32, %c0_i32_0, %c0_i32_1 : i32, i32, i32
  }
  func.func @transform_2(%arg0: i32) -> (i32, i32) {
    %c0_i32 = arith.constant 0 : i32
    %c0_i32_0 = arith.constant 0 : i32
    return %arg0, %c0_i32 : i32, i32
  }
}

</mosaic_0001>

<sc_bundles>
// kernel: kernel.5.cloned.1.call-start
scs
__scs_entry_jumppad:
0x0: {  	(pc) =	sbr.rel $0x88, $3  }
0x1: {  	(tag) =	ssettag $0x0;
	lr =	simm.s32 $0x1  }
0x2: {  	[smem:$0x3F9D] =	sst lr;
	_ =	strace $0xD0000000  }
0x3: {  	_ = 	snop  }
0x4: {  	_ = 	snop  }
0x5: {  	_ = 	snop  }
0x6: {  	_ = 	snop  }
0x7: {  	_ = 	snop  }
__scs_overlays_trampoline_lowered:
0x8: {  	[smem:$0x3FAC] =	sst s0  }
0x9: {  	[smem:$0x3FAD] =	sst s1  }
0xa: {  	[smem:$0x3FAE] =	sst s2  }
0xb: {  	[smem:$0x3FAF] =	sst s3  }
0xc: {  	[smem:$0x3FB0] =	sst s4  }
0xd: {  	[smem:$0x3FB1] =	sst s5  }
0xe: {  	[smem:$0x3FB2] =	sst s6  }
0xf: {  	[smem:$0x3FB3] =	sst s7  }
0x10: {  	[smem:$0x3FB4] =	sst s8  }
0x11: {  	[smem:$0x3FB5] =	sst s9;
	s0 =	simm.s32 @!p0 $0x0  }
0x12: {  	s1 =	sld [smem:$0x3F9B];
	s0 =	simm.s32 @p0 $0x1  }
0x13: {  	[smem:$0x3FB6] =	sst s0;
	s0 =	simm.s32 @!p1 $0x0  }
0x14: {  	s2 =	sld [smem:$0x3F9A];
	s0 =	simm.s32 @p1 $0x1  }
0x15: {  	[smem:$0x3FB7] =	sst s0;
	s0 =	simm.s32 @!p2 $0x0  }
0x16: {  	s3 =	sld [smem:$0x3FDB];
	s0 =	simm.s32 @p2 $0x1  }
0x17: {  	s4 =	simm.s32 $0x1BF5;
	[smem:$0x3FB9] =	sst s0  }
0x18: {  	s0 =	sld [smem:$0x3F9C];
	_ =	swait.ge [sflag:s4], $0x0  }
0x19: {  	s7 =	sld [smem:$0x3F9D]  }
0x1a: {  	s8 =	sadd.s32 $0xFFFFE003, lr  }
0x1b: {  	s9 =	sadd.s32 $0xFFFFFEF7, lr;
	s5 =	simm.s32 $0xFFFFFFFF;
	p2 =	slt.u32 s8, $0xFFFFF086  }
0x1c: {  	p1 =	slt.u32 s9, $0xF7A;
	s5 =	simm.s32 @!p2 $0x0  }
0x1d: {  	s5 =	simm.s32 @p1 $0x1;
	p0 =	seq.s32 s7, s2  }
0x1e: {  	s7 =	smul.u32 @!p0 $0xF7A, s2;
	p2 =	seq.s32 @!p0 s5, $0x0  }
0x1f: {  	s9 =	smul.u32 $0xF7A, s1;
	s8 =	simm.s32 @!p0 $0x1BF5;
	p2 =	por !p2, p0  }
0x20: {  	[sflag:s8] =	ssyncset.s32 @!p0 $0xFFFFF086;
	s6 =	sadd.s32 @!p0 s3, s7;
	s7 =	simm.s32 @!p0 $0x108  }
0x21: {  	s3 =	sadd.s32 s3, s9;
	s6 =	sadd.s32 @!p0 $0x88, s6;
	s7 =	simm.s32 @p2 $0x1082  }
0x22: {  	[simem:s7], [sflag:s8] =	dma.local @!p0 [hbm:s6], $0xF7A  }
0x23: {  	s9 =	sor.u32 $0xD0000000, s2;
	s6 =	simm.s32 $0x108;
	_ =	swait.ge @!p0 [sflag:s8], $0x0  }
0x24: {  	s3 =	sadd.s32 $0x88, s3;
	s6 =	simm.s32 @!p1 $0x1082;
	[sflag:s4] =	ssyncset.s32 $0xFFFFF086  }
0x25: {  	[simem:s6], [sflag:s4] =	dma.local [hbm:s3], $0xF7A  }
0x26: {  	[smem:$0x3F9D] =	sst s1;
	(tag) =	ssettag s2;
	_ =	strace s9  }
0x27: {  	s1 =	sld [smem:$0x3FAD]  }
0x28: {  	s2 =	sld [smem:$0x3FAE]  }
0x29: {  	s4 =	sld [smem:$0x3FB0]  }
0x2a: {  	p0 =	seq.s32 s5, $0x0;
	s5 =	sld [smem:$0x3FB1]  }
0x2b: {  	s6 =	sld [smem:$0x3FB2]  }
0x2c: {  	s7 =	sld [smem:$0x3FB3]  }
0x2d: {  	s3 =	simm.s32 $0x108;
	s8 =	sld [smem:$0x3FB4]  }
0x2e: {  	s3 =	simm.s32 @!p0 $0x1082;
	s9 =	sld [smem:$0x3FB5]  }
0x2f: {  	lr =	sadd.s32 s0, s3;
	s0 =	sld [smem:$0x3FAC]  }
0x30: {  	s3 =	sld [smem:$0x3FAF]  }
0x31: {  	[smem:$0x3FB8] =	sst s10  }
0x32: {  	s10 =	sld [smem:$0x3FB6];
	_ =	sdelay $0x3  }
0x33: {  	p0 =	seq.s32 s10, $0x1;
	s10 =	sld [smem:$0x3FB8];
	_ =	sdelay $0x3  }
0x34: {  	[smem:$0x3FB8] =	sst s10  }
0x35: {  	s10 =	sld [smem:$0x3FB7];
	_ =	sdelay $0x3  }
0x36: {  	p1 =	seq.s32 s10, $0x1;
	s10 =	sld [smem:$0x3FB8];
	_ =	sdelay $0x3  }
0x37: {  	[smem:$0x3FB8] =	sst s10  }
0x38: {  	s10 =	sld [smem:$0x3FB9]  }
0x39: {  	_ = 	snop;
	(pc) =	sbr.ind lr, $3  }
0x3a: {  	_ = 	snop  }
0x3b: {  	_ = 	snop  }
0x3c: {  	p2 =	seq.s32 s10, $0x1;
	s10 =	sld [smem:$0x3FB8]  }
0x3d: {  	_ =	shalt  }
0x3e: {  	_ =	shalt  }
0x3f: {  	_ =	shalt  }
0x40: {  	_ =	shalt  }
0x41: {  	_ =	shalt  }
0x42: {  	_ =	shalt  }
0x43: {  	_ =	shalt  }
0x44: {  	_ =	shalt  }
0x45: {  	_ =	shalt  }
0x46: {  	_ =	shalt  }
0x47: {  	_ =	shalt  }
0x48: {  	_ =	shalt  }
0x49: {  	_ =	shalt  }
0x4a: {  	_ =	shalt  }
0x4b: {  	_ =	shalt  }
0x4c: {  	_ =	shalt  }
0x4d: {  	_ =	shalt  }
0x4e: {  	_ =	shalt  }
0x4f: {  	_ =	shalt  }
0x50: {  	_ =	shalt  }
0x51: {  	_ =	shalt  }
0x52: {  	_ =	shalt  }
0x53: {  	_ =	shalt  }
0x54: {  	_ =	shalt  }
0x55: {  	_ =	shalt  }
0x56: {  	_ =	shalt  }
0x57: {  	_ =	shalt  }
0x58: {  	_ =	shalt  }
0x59: {  	_ =	shalt  }
0x5a: {  	_ =	shalt  }
0x5b: {  	_ =	shalt  }
0x5c: {  	_ =	shalt  }
0x5d: {  	_ =	shalt  }
0x5e: {  	_ =	shalt  }
0x5f: {  	_ =	shalt  }
0x60: {  	_ =	shalt  }
0x61: {  	_ =	shalt  }
0x62: {  	_ =	shalt  }
0x63: {  	_ =	shalt  }
0x64: {  	_ =	shalt  }
0x65: {  	_ =	shalt  }
0x66: {  	_ =	shalt  }
0x67: {  	_ =	shalt  }
0x68: {  	_ =	shalt  }
0x69: {  	_ =	shalt  }
0x6a: {  	_ =	shalt  }
0x6b: {  	_ =	shalt  }
0x6c: {  	_ =	shalt  }
0x6d: {  	_ =	shalt  }
0x6e: {  	_ =	shalt  }
0x6f: {  	_ =	shalt  }
0x70: {  	_ =	shalt  }
0x71: {  	_ =	shalt  }
0x72: {  	_ =	shalt  }
0x73: {  	_ =	shalt  }
0x74: {  	_ =	shalt  }
0x75: {  	_ =	shalt  }
0x76: {  	_ =	shalt  }
0x77: {  	_ =	shalt  }
0x78: {  	_ =	shalt  }
0x79: {  	_ =	shalt  }
0x7a: {  	_ =	shalt  }
0x7b: {  	_ =	shalt  }
0x7c: {  	_ =	shalt  }
0x7d: {  	_ =	shalt  }
0x7e: {  	_ =	shalt  }
0x7f: {  	_ =	shalt  }
0x80: {  	_ =	shalt  }
0x81: {  	_ =	shalt  }
0x82: {  	_ =	shalt  }
0x83: {  	_ =	shalt  }
0x84: {  	_ =	shalt  }
0x85: {  	_ =	shalt  }
0x86: {  	_ =	shalt  }
0x87: {  	_ =	shalt  }
.Lfunc_end0:
.L_simem_size_0:
called_computation_lowered:
.L_overlay_start_0:
0x88: {  	s2 =	sld [smem:$0x3FD9]  }
0x89: {  	s3 =	sld [smem:$0x3FFE];
	_ =	sdelay $0x1  }
0x8a: {  	s1 =	srdreg.scid  }
0x8b: {  	s0 =	sand.u32 $0x1, s1  }
0x8c: {  	s17 =	sshll.u32 s0, $0xA;
	s2 =	sadd.s32 s3, s2  }
0x8d: {  	s2 =	sadd.s32 s2, s17  }
0x8e: {  	[smem:$0x3FC4] =	sst s2  }
0x8f: {  	_ = 	snop  }
0x90: {  	s2 =	sld [smem:$0x3FD0];
	(tm) =	ssettm $0x1  }
0x91: {  	s18 =	sld [smem:$0x3FFB];
	_ =	sdelay $0x3  }
0x92: {  	_ =	strace s18  }
0x93: {  	s3 =	sld [smem:$0x3FFC];
	_ =	sdelay $0x3  }
0x94: {  	_ =	strace s3  }
0x95: {  	s3 =	sld [smem:$0x3FFD];
	_ =	sdelay $0x3  }
0x96: {  	_ =	strace s3  }
0x97: {  	_ =	strace $0x8FFFFFFF  }
0x98: {  	s19 =	sld [smem:$0x3FDB];
	_ =	sdelay $0x1  }
0x99: {  	s4 =	simm.s32 $_scs_section_size  }
0x9a: {  	s5 =	simm.s32 $_size__tile_overlayer_lowered;
	s6 =	simm.s32 $_tile_overlayer_lowered  }
0x9b: {  	s22 =	simm.s32 $0x1BFF;
	s21 =	sshll.u32 s6, $0x1;
	s3 =	sadd.s32 s4, s19  }
0x9c: {  	s7 =	simm.s32 $0x0;
	s20 =	sshll.u32 s5, $0x1;
	s5 =	sadd.s32 s21, s3  }
0x9d: {  	[timem:s7], [sflag:s22] =	dma.local [hbm:s5], s20  }
0x9e: {  	_ =	swait.ge [sflag:s22], s20  }
0x9f: {  	s4 =	ssub.s32 $0x0, s20;
	[sflag:s22] =	ssyncset.done $0x0  }
0xa0: {  	[sflag:s22] =	ssyncadd.s32 s4;
	_ =	sdelay $0x1  }
0xa1: {  	s23 =	simm.s32 $0x1B8B  }
0xa2: {  	_ =	swait.ge [sflag:s23], $0x1  }
0xa3: {  	[sflag:s23] =	ssyncset.done $0x0  }
0xa4: {  	s25 =	simm.s32 $0x1B8E;
	s24 =	sld [smem:$0x3FFE];
	[sflag:s23] =	ssyncadd.s32 $0xFFFFFFFF  }
0xa5: {  	s26 =	simm.s32 $execute0_lowered;
	[smem:$0x3FD2] =	sst s25  }
0xa6: {  	s5 =	sshll.u32 s26, $0x1;
	_ =	strace $0x80000046;
	[dreg:$0x1] =	wrdreg $0xFFFFFFFF  }
0xa7: {  	s28 =	simm.s32 $_size_execute0_lowered;
	s3 =	sadd.s32 s3, s5;
	[dreg:$0x0] =	wrdreg $0x0  }
0xa8: {  	s5 =	sshll.u32 s28, $0x1;
	[dreg:$0x2] =	wrdreg s3  }
0xa9: {  	[dreg:$0x3] =	wrdreg s5  }
0xaa: {  	[dreg:$0x4] =	wrdreg $0xC0  }
0xab: {  	_ =	task [dreg:s7], $0x5FFFF  }
0xac: {  	[dreg:$0x1] =	wrdreg $0xFFFFFFFF  }
0xad: {  	[dreg:$0x0] =	wrdreg $0x60  }
0xae: {  	[dreg:$0x2] =	wrdreg s24  }
0xaf: {  	[dreg:$0x3] =	wrdreg s2  }
0xb0: {  	[dreg:$0x4] =	wrdreg $0x0  }
0xb1: {  	[dreg:$0x5] =	wrdreg $0x9  }
0xb2: {  	_ =	task.clear_ibuf [dreg:s7], $0x6FFFF;
	_ =	strace $0x90000046  }
0xb3: {  	s29 =	simm.s32 $0x9;
	_ =	strace $0x80000048  }
0xb4: {  	_ =	swait.ge [sflag:s29], $0x1  }
0xb5: {  	[sflag:s29] =	ssyncadd.s32 $0xFFFFFFFF  }
0xb6: {  	_ =	strace $0x90000048  }
0xb7: {  	_ =	sfence  }
0xb8: {  	s30 =	sld [smem:$0x0];
	_ =	sdelay $0x2  }
0xb9: {  	s31 =	sshll.u32 s1, $0xD;
	s1 =	sshrl.u32 s1, $0x2  }
0xba: {  	s3 =	sand.u32 $0x4000, s31;
	s1 =	sadd.s32 s1, s30  }
0xbb: {  	s0 =	sor.u32 s3, s0;
	s1 =	sshll.u32 s1, $0x11  }
0xbc: {  	s0 =	sor.u32 s1, s0  }
0xbd: {  	s0 =	sadd.s32 $0x8F2B, s0  }
0xbe: {  	[sflag:s0] =	ssyncadd.remote.s32 $0x1  }
0xbf: {  	_ =	sfence.sel $0xFFFF  }
0xc0: {  	[dreg:$0x0] =	wrdreg $0xFFFFFFFF;
	(pc) =	sbr.abs _section_cstart, $3  }
0xc1: {  	[dreg:$0x1] =	wrdreg $0xFFFFFFFF  }
0xc2: {  	_ =	task.clear_ibuf [dreg:s7], $0x2FFFF;
	_ =	strace $0x9FFFFFFF  }
0xc3: {  	(tm) =	ssettm $0x7FFFFFFF  }
tec
execute0_lowered:
.L_overlay_start_1:
0x0: {  	(tag) =	ssettag $0x1  }
0x1: {  	s0 =	rddreg [dreg:$0x0]  }
0x2: {  	s2 =	rddreg [dreg:$0x1]  }
0x3: {  	s1 =	rddreg [dreg:$0x2];
	s3 =	simm.s32 $0x0;
	s5 =	srdreg.scid  }
0x4: {  	s12 =	stileid.u32;
	s28 =	simm.s32 $0x14180;
	s29 =	simm.s32 $0x1  }
0x5: {  	s30 =	simm.s32 $0x50;
	s31 =	simm.s32 $0x14300;
	[smem:$0x7FF] =	sst s3  }
0x6: {  	s4 =	sadd.s32 $0x14E00, s0;
	s5 =	sand.u32 $0x1, s5;
	s6 =	smul.u32 $0x2800, s12  }
0x7: {  	s13 =	sadd.s32 $0xB000, s0;
	s8 =	sshll.u32 s12, $0x1;
	s9 =	sadd.s32 $0xB1800, s0  }
0x8: {  	s10 =	sadd.s32 $0xB1200, s0;
	_ =	strace $0x80000047;
	[dreg:$0x6] =	wrdreg s9  }
0x9: {  	s14 =	sadd.s32 $0x1200, s0;
	s23 =	smul.u32 $0x50000, s12;
	[dreg:$0x7] =	wrdreg s10  }
0xa: {  	s7 =	smul.u32 $0x28000, s5;
	s8 =	sor.u32 s5, s8;
	[dreg:$0x4] =	wrdreg s13  }
0xb: {  	s19 =	ssub.s32 $0x2, s5;
	s5 =	smul.u32 $0x2710, s5;
	[dreg:$0x5] =	wrdreg s14  }
0xc: {  	s20 =	smul.u32 $0x2710, s8;
	s21 =	sshrl.u32 s19, $0x1;
	s9 =	sshrl.u32 s23, $0x2  }
0xd: {  	s8 =	smul.u32 $0x500, s8;
	s6 =	sadd.s32 s6, s7;
	s9 =	sadd.s32 s9, s1  }
0xe: {  	s0 =	sadd.s32 s6, s0;
	s6 =	ssub.s32 s19, s21;
	s22 =	sshrl.u32 s20, $0x3  }
0xf: {  	[dreg:$0xc] =	wrdreg s9;
	s19 =	smul.u32 $0x4E20, s12;
	s2 =	sadd.s32 s2, s8  }
0x10: {  	s8 =	simm.s32 $0x16B00;
	s24 =	sadd.s32 s13, s22;
	[dreg:$0x14] =	wrdreg s2  }
0x11: {  	s12 =	simm.s32 $0x14100;
	s25 =	sadd.s32 s14, s22;
	[dreg:$0x8] =	wrdreg s24  }
0x12: {  	s26 =	sadd.s32 $0xA, s22;
	s0 =	sadd.s32 $0xB4000, s0;
	[dreg:$0x9] =	wrdreg s25  }
0x13: {  	s15 =	sadd.s32 $0x14, s22;
	s11 =	sadd.s32 s13, s26;
	[dreg:$0x13] =	wrdreg s0  }
0x14: {  	s18 =	sadd.s32 $0x1E, s22;
	s10 =	sadd.s32 s14, s26;
	[dreg:$0xa] =	wrdreg s11  }
0x15: {  	s7 =	sadd.s32 $0x28, s22;
	s16 =	sadd.s32 s13, s15;
	[dreg:$0xb] =	wrdreg s10  }
0x16: {  	s2 =	simm.s32 $0x14200;
	s17 =	sadd.s32 s14, s15;
	[dreg:$0xd] =	wrdreg s16  }
0x17: {  	s20 =	sadd.s32 s13, s18;
	s9 =	sadd.s32 s14, s18;
	[dreg:$0xe] =	wrdreg s17  }
0x18: {  	s21 =	sadd.s32 s13, s7;
	s7 =	sadd.s32 s14, s7;
	[dreg:$0xf] =	wrdreg s20  }
0x19: {  	s22 =	sadd.s32 s5, s19;
	s24 =	smax.u32 s6, $0x1;
	[dreg:$0x10] =	wrdreg s9  }
0x1a: {  	s6 =	simm.s32 $0xA;
	s13 =	simm.s32 $0x14280;
	[dreg:$0x11] =	wrdreg s21  }
0x1b: {  	s14 =	simm.s32 $0x3;
	s15 =	simm.s32 $0x19300;
	[dreg:$0x12] =	wrdreg s7  }
0x1c: {  	s18 =	simm.s32 $0x6;
	s19 =	simm.s32 $0x8;
	[dreg:$0x15] =	wrdreg s24  }
0x1d: {  	s25 =	sadd.s32 $0x230, s22;
	s26 =	sadd.s32 $0x1E0, s22;
	s0 =	sadd.s32 $0x190, s22  }
0x1e: {  	s7 =	simm.s32 $0x2;
	s10 =	simm.s32 $0x1BB00;
	s11 =	simm.s32 $0x4  }
0x1f: {  	s16 =	simm.s32 $0x5;
	s17 =	simm.s32 $0x7;
	s20 =	simm.s32 $0x9  }
0x20: {  	s21 =	simm.s32 $0x0;
	s23 =	sshrl.u32 s25, $0x3;
	s24 =	sshrl.u32 s26, $0x3  }
0x21: {  	v0 =	vimm.f32 $1.000000000e+00;
	s25 =	sshrl.u32 s0, $0x3;
	s26 =	simm.s32 $0x14000;
	s0 =	simm.s32 $0x14080  }
.LBB2_1:
0x22: {  	s5 =	rddreg [dreg:$0x8]  }
0x23: {  	[tilespmem:s26], [sflag:$0x1] =	stream.linear.gather [hbm4b:s5+s3], $0x50, $0x38;
	[tilespmem:$0x1E300] =	vst v63  }
0x24: {  	s22 =	rddreg [dreg:$0x9]  }
0x25: {  	[tilespmem:s28], [sflag:$0x1] =	stream.linear.gather [hbm4b:s22+s3], $0x50, $0x38;
	[tilespmem:$0x1E300] =	vst v63  }
0x26: {  	_ =	swait.ge [sflag:s29], $0x50  }
0x27: {  	[sflag:s29] =	ssyncset.done $0x0  }
0x28: {  	[sflag:s29] =	ssyncadd.s32 $0xFFFFFFB0  }
0x29: {  	_ =	swait.ge [sflag:s29], $0x50  }
0x2a: {  	[sflag:s29] =	ssyncset.done $0x0  }
0x2b: {  	[sflag:s29] =	ssyncadd.s32 $0xFFFFFFB0  }
0x2c: {  	[tilespmem:s31], [sflag:$0x4] =	stream.indirect.gather [hbm4b:s4+s30], $0x80, s26, s30, $0xb8;
	[tilespmem:$0x1E300] =	vst v63  }
0x2d: {  	s9 =	rddreg [dreg:$0xa]  }
0x2e: {  	[tilespmem:s0], [sflag:$0x2] =	stream.linear.gather [hbm4b:s9+s3], $0x50, $0x38;
	[tilespmem:$0x1E300] =	vst v63  }
0x2f: {  	s22 =	rddreg [dreg:$0xb]  }
0x30: {  	[tilespmem:s2], [sflag:$0x2] =	stream.linear.gather [hbm4b:s22+s3], $0x50, $0x38;
	[tilespmem:$0x1E300] =	vst v63  }
0x31: {  	s9 =	stileid.u32;
	_ =	swait.ge [sflag:s7], $0x50  }
0x32: {  	s5 =	sshll.u32 s9, $0x6;
	[sflag:s7] =	ssyncset.done $0x0  }
0x33: {  	s9 =	sor.u32 $0x1C0A, s5;
	[sflag:s7] =	ssyncadd.s32 $0xFFFFFFB0  }
0x34: {  	_ =	swait.ge [sflag:s7], $0x50;
	[dreg:$0x16] =	wrdreg s9  }
0x35: {  	[sflag:s7] =	ssyncset.done $0x0;
	s22 =	rddreg [dreg:$0xc]  }
0x36: {  	s5 =	rddreg [dreg:$0x6];
	[sflag:s7] =	ssyncadd.s32 $0xFFFFFFB0;
	s22 =	sshrl.u32 s22, $0x3  }
0x37: {  	[tilespmem:s8], [sflag:$0x5] =	stream.indirect.gather [hbm4b:s4+s30], $0x80, s0, s30, $0xb8;
	[tilespmem:$0x1E300] =	vst v63  }
0x38: {  	[dreg:$0x17] =	wrdreg s22  }
0x39: {  	[spmem:s22], [sflag:s9] =	dma.local [hbm:s5], $0x2800  }
0x3a: {  	_ =	swait.ge [sflag:s6], $0x2800  }
0x3b: {  	[sflag:s6] =	ssyncset.done $0x0  }
0x3c: {  	s22 =	rddreg [dreg:$0x7];
	[sflag:s6] =	ssyncadd.s32 $0xFFFFD800  }
0x3d: {  	[tilespmem:s10], [sflag:$0xA] =	stream.linear.gather [hbm4b:s22+s3], $0x2800, $0x38;
	[tilespmem:$0x1E300] =	vst v63  }
0x3e: {  	_ =	swait.ge [sflag:s6], $0x2800  }
0x3f: {  	[sflag:s6] =	ssyncset.done $0x0  }
0x40: {  	[sflag:s6] =	ssyncadd.s32 $0xFFFFD800  }
0x41: {  	[bflag:$0x0] =	sbarrier.arrive $0xFFFF  }
0x42: {  	_ =	swait.ge [sflag:s11], $0x2800  }
0x43: {  	[sflag:s11] =	ssyncset.done $0x0  }
0x44: {  	[sflag:s11] =	ssyncadd.s32 $0xFFFFD800  }
0x45: {  	[spmem:s1] =	stream.indirect.scatter.add.f32 [tilespmem:s31], [sflag:$0x7], $0x80, s28, s30, $0xb8;
	[tilespmem:$0x1E300] =	vst v63  }
0x46: {  	v1 =	vld [tilespmem:$0x14180];
	_ =	sdelay $0x7  }
0x47: {  	[tilespmem:v1+s10+$0x0] =	vst.idx.add.f32.msk $0xffff, v0  }
0x48: {  	v1 =	vld [tilespmem:$0x14190];
	_ =	sdelay $0x7  }
0x49: {  	[tilespmem:v1+s10+$0x0] =	vst.idx.add.f32.msk $0xffff, v0  }
0x4a: {  	v1 =	vld [tilespmem:$0x141A0];
	_ =	sdelay $0x7  }
0x4b: {  	[tilespmem:v1+s10+$0x0] =	vst.idx.add.f32.msk $0xffff, v0  }
0x4c: {  	v1 =	vld [tilespmem:$0x141B0];
	_ =	sdelay $0x7  }
0x4d: {  	[tilespmem:v1+s10+$0x0] =	vst.idx.add.f32.msk $0xffff, v0  }
0x4e: {  	v1 =	vld [tilespmem:$0x141C0];
	_ =	sdelay $0x7  }
0x4f: {  	s6 =	rddreg [dreg:$0xd];
	[tilespmem:v1+s10+$0x0] =	vst.idx.add.f32.msk $0xffff, v0  }
0x50: {  	[tilespmem:s12], [sflag:$0x3] =	stream.linear.gather [hbm4b:s6+s3], $0x50, $0x38;
	[tilespmem:$0x1E300] =	vst v63  }
0x51: {  	s9 =	rddreg [dreg:$0xe]  }
0x52: {  	[tilespmem:s13], [sflag:$0x3] =	stream.linear.gather [hbm4b:s9+s3], $0x50, $0x38;
	[tilespmem:$0x1E300] =	vst v63  }
0x53: {  	_ =	swait.ge [sflag:s14], $0x50  }
0x54: {  	[sflag:s14] =	ssyncset.done $0x0  }
0x55: {  	[sflag:s14] =	ssyncadd.s32 $0xFFFFFFB0  }
0x56: {  	_ =	swait.ge [sflag:s14], $0x50  }
0x57: {  	[sflag:s14] =	ssyncset.done $0x0  }
0x58: {  	[sflag:s14] =	ssyncadd.s32 $0xFFFFFFB0  }
0x59: {  	[tilespmem:s15], [sflag:$0x6] =	stream.indirect.gather [hbm4b:s4+s30], $0x80, s12, s30, $0xb8;
	[tilespmem:$0x1E300] =	vst v63  }
0x5a: {  	_ =	swait.ge [sflag:s16], $0x2800  }
0x5b: {  	[sflag:s16] =	ssyncset.done $0x0  }
0x5c: {  	[sflag:s16] =	ssyncadd.s32 $0xFFFFD800  }
0x5d: {  	[spmem:s1] =	stream.indirect.scatter.add.f32 [tilespmem:s8], [sflag:$0x8], $0x80, s2, s30, $0xb8;
	[tilespmem:$0x1E300] =	vst v63  }
0x5e: {  	v1 =	vld [tilespmem:$0x14200];
	_ =	sdelay $0x7  }
0x5f: {  	[tilespmem:v1+s10+$0x0] =	vst.idx.add.f32.msk $0xffff, v0  }
0x60: {  	v1 =	vld [tilespmem:$0x14210];
	_ =	sdelay $0x7  }
0x61: {  	[tilespmem:v1+s10+$0x0] =	vst.idx.add.f32.msk $0xffff, v0  }
0x62: {  	v1 =	vld [tilespmem:$0x14220];
	_ =	sdelay $0x7  }
0x63: {  	[tilespmem:v1+s10+$0x0] =	vst.idx.add.f32.msk $0xffff, v0  }
0x64: {  	v1 =	vld [tilespmem:$0x14230];
	_ =	sdelay $0x7  }
0x65: {  	[tilespmem:v1+s10+$0x0] =	vst.idx.add.f32.msk $0xffff, v0  }
0x66: {  	v1 =	vld [tilespmem:$0x14240];
	_ =	sdelay $0x7  }
0x67: {  	[tilespmem:v1+s10+$0x0] =	vst.idx.add.f32.msk $0xffff, v0  }
0x68: {  	_ =	swait.ge [sflag:s17], $0x2800  }
0x69: {  	[sflag:s17] =	ssyncset.done $0x0  }
0x6a: {  	s22 =	rddreg [dreg:$0xf];
	[sflag:s17] =	ssyncadd.s32 $0xFFFFD800  }
0x6b: {  	[tilespmem:s26], [sflag:$0x1] =	stream.linear.gather [hbm4b:s22+s3], $0x50, $0x38;
	[tilespmem:$0x1E300] =	vst v63  }
0x6c: {  	s6 =	rddreg [dreg:$0x10]  }
0x6d: {  	[tilespmem:s28], [sflag:$0x1] =	stream.linear.gather [hbm4b:s6+s3], $0x50, $0x38;
	[tilespmem:$0x1E300] =	vst v63  }
0x6e: {  	_ =	swait.ge [sflag:s29], $0x50  }
0x6f: {  	[sflag:s29] =	ssyncset.done $0x0  }
0x70: {  	[sflag:s29] =	ssyncadd.s32 $0xFFFFFFB0  }
0x71: {  	_ =	swait.ge [sflag:s29], $0x50  }
0x72: {  	[sflag:s29] =	ssyncset.done $0x0  }
0x73: {  	[sflag:s29] =	ssyncadd.s32 $0xFFFFFFB0  }
0x74: {  	[tilespmem:s31], [sflag:$0x4] =	stream.indirect.gather [hbm4b:s4+s30], $0x80, s26, s30, $0xb8;
	[tilespmem:$0x1E300] =	vst v63  }
0x75: {  	_ =	swait.ge [sflag:s18], $0x2800  }
0x76: {  	[sflag:s18] =	ssyncset.done $0x0  }
0x77: {  	[sflag:s18] =	ssyncadd.s32 $0xFFFFD800  }
0x78: {  	[spmem:s1] =	stream.indirect.scatter.add.f32 [tilespmem:s15], [sflag:$0x9], $0x80, s13, s30, $0xb8;
	[tilespmem:$0x1E300] =	vst v63  }
0x79: {  	v1 =	vld [tilespmem:$0x14280];
	_ =	sdelay $0x7  }
0x7a: {  	[tilespmem:v1+s10+$0x0] =	vst.idx.add.f32.msk $0xffff, v0  }
0x7b: {  	v1 =	vld [tilespmem:$0x14290];
	_ =	sdelay $0x7  }
0x7c: {  	[tilespmem:v1+s10+$0x0] =	vst.idx.add.f32.msk $0xffff, v0  }
0x7d: {  	v1 =	vld [tilespmem:$0x142A0];
	_ =	sdelay $0x7  }
0x7e: {  	[tilespmem:v1+s10+$0x0] =	vst.idx.add.f32.msk $0xffff, v0  }
0x7f: {  	v1 =	vld [tilespmem:$0x142B0];
	_ =	sdelay $0x7  }
0x80: {  	[tilespmem:v1+s10+$0x0] =	vst.idx.add.f32.msk $0xffff, v0  }
0x81: {  	v1 =	vld [tilespmem:$0x142C0];
	_ =	sdelay $0x7  }
0x82: {  	[tilespmem:v1+s10+$0x0] =	vst.idx.add.f32.msk $0xffff, v0  }
0x83: {  	_ =	swait.ge [sflag:s19], $0x2800  }
0x84: {  	[sflag:s19] =	ssyncset.done $0x0  }
0x85: {  	s9 =	rddreg [dreg:$0x11];
	[sflag:s19] =	ssyncadd.s32 $0xFFFFD800  }
0x86: {  	[tilespmem:s0], [sflag:$0x2] =	stream.linear.gather [hbm4b:s9+s3], $0x50, $0x38;
	[tilespmem:$0x1E300] =	vst v63  }
0x87: {  	s22 =	rddreg [dreg:$0x12]  }
0x88: {  	[tilespmem:s2], [sflag:$0x2] =	stream.linear.gather [hbm4b:s22+s3], $0x50, $0x38;
	[tilespmem:$0x1E300] =	vst v63  }
0x89: {  	_ =	swait.ge [sflag:s7], $0x50  }
0x8a: {  	[sflag:s7] =	ssyncset.done $0x0  }
0x8b: {  	[sflag:s7] =	ssyncadd.s32 $0xFFFFFFB0  }
0x8c: {  	_ =	swait.ge [sflag:s7], $0x50  }
0x8d: {  	[sflag:s7] =	ssyncset.done $0x0;
	s22 =	rddreg [dreg:$0x4]  }
0x8e: {  	s6 =	simm.s32 $0x28;
	s5 =	rddreg [dreg:$0x5];
	[sflag:s7] =	ssyncadd.s32 $0xFFFFFFB0  }
0x8f: {  	[tilespmem:s8], [sflag:$0x5] =	stream.indirect.gather [hbm4b:s4+s30], $0x80, s0, s30, $0xb8;
	[tilespmem:$0x1E300] =	vst v63  }
.LBB2_2:
0x90: {  	_ =	swait.ge [sflag:s11], $0x2800  }
0x91: {  	[sflag:s11] =	ssyncset.done $0x0  }
0x92: {  	[sflag:s11] =	ssyncadd.s32 $0xFFFFD800  }
0x93: {  	[spmem:s1] =	stream.indirect.scatter.add.f32 [tilespmem:s31], [sflag:$0x7], $0x80, s28, s30, $0xb8;
	[tilespmem:$0x1E300] =	vst v63  }
0x94: {  	v1 =	vld [tilespmem:$0x14180];
	_ =	sdelay $0x7  }
0x95: {  	[tilespmem:v1+s10+$0x0] =	vst.idx.add.f32.msk $0xffff, v0  }
0x96: {  	v1 =	vld [tilespmem:$0x14190];
	_ =	sdelay $0x7  }
0x97: {  	[tilespmem:v1+s10+$0x0] =	vst.idx.add.f32.msk $0xffff, v0  }
0x98: {  	v1 =	vld [tilespmem:$0x141A0];
	_ =	sdelay $0x7  }
0x99: {  	[tilespmem:v1+s10+$0x0] =	vst.idx.add.f32.msk $0xffff, v0  }
0x9a: {  	v1 =	vld [tilespmem:$0x141B0];
	_ =	sdelay $0x7  }
0x9b: {  	[tilespmem:v1+s10+$0x0] =	vst.idx.add.f32.msk $0xffff, v0  }
0x9c: {  	v1 =	vld [tilespmem:$0x141C0];
	_ =	sdelay $0x7  }
0x9d: {  	[tilespmem:v1+s10+$0x0] =	vst.idx.add.f32.msk $0xffff, v0  }
0x9e: {  	_ =	swait.ge [sflag:s20], $0x2800  }
0x9f: {  	[sflag:s20] =	ssyncset.done $0x0  }
0xa0: {  	s9 =	sadd.s32 s22, s25;
	[sflag:s20] =	ssyncadd.s32 $0xFFFFD800  }
0xa1: {  	[tilespmem:s12], [sflag:$0x3] =	stream.linear.gather [hbm4b:s9+s3], $0x50, $0x38;
	[tilespmem:$0x1E300] =	vst v63  }
0xa2: {  	s9 =	sadd.s32 s5, s25  }
0xa3: {  	[tilespmem:s13], [sflag:$0x3] =	stream.linear.gather [hbm4b:s9+s3], $0x50, $0x38;
	[tilespmem:$0x1E300] =	vst v63  }
0xa4: {  	_ =	swait.ge [sflag:s14], $0x50  }
0xa5: {  	[sflag:s14] =	ssyncset.done $0x0  }
0xa6: {  	[sflag:s14] =	ssyncadd.s32 $0xFFFFFFB0  }
0xa7: {  	_ =	swait.ge [sflag:s14], $0x50  }
0xa8: {  	[sflag:s14] =	ssyncset.done $0x0  }
0xa9: {  	[sflag:s14] =	ssyncadd.s32 $0xFFFFFFB0  }
0xaa: {  	[tilespmem:s15], [sflag:$0x6] =	stream.indirect.gather [hbm4b:s4+s30], $0x80, s12, s30, $0xb8;
	[tilespmem:$0x1E300] =	vst v63  }
0xab: {  	_ =	swait.ge [sflag:s16], $0x2800  }
0xac: {  	[sflag:s16] =	ssyncset.done $0x0  }
0xad: {  	[sflag:s16] =	ssyncadd.s32 $0xFFFFD800  }
0xae: {  	[spmem:s1] =	stream.indirect.scatter.add.f32 [tilespmem:s8], [sflag:$0x8], $0x80, s2, s30, $0xb8;
	[tilespmem:$0x1E300] =	vst v63  }
0xaf: {  	v1 =	vld [tilespmem:$0x14200];
	_ =	sdelay $0x7  }
0xb0: {  	[tilespmem:v1+s10+$0x0] =	vst.idx.add.f32.msk $0xffff, v0  }
0xb1: {  	v1 =	vld [tilespmem:$0x14210];
	_ =	sdelay $0x7  }
0xb2: {  	[tilespmem:v1+s10+$0x0] =	vst.idx.add.f32.msk $0xffff, v0  }
0xb3: {  	v1 =	vld [tilespmem:$0x14220];
	_ =	sdelay $0x7  }
0xb4: {  	[tilespmem:v1+s10+$0x0] =	vst.idx.add.f32.msk $0xffff, v0  }
0xb5: {  	v1 =	vld [tilespmem:$0x14230];
	_ =	sdelay $0x7  }
0xb6: {  	[tilespmem:v1+s10+$0x0] =	vst.idx.add.f32.msk $0xffff, v0  }
0xb7: {  	v1 =	vld [tilespmem:$0x14240];
	_ =	sdelay $0x7  }
0xb8: {  	[tilespmem:v1+s10+$0x0] =	vst.idx.add.f32.msk $0xffff, v0  }
0xb9: {  	_ =	swait.ge [sflag:s17], $0x2800  }
0xba: {  	[sflag:s17] =	ssyncset.done $0x0  }
0xbb: {  	s9 =	sadd.s32 s22, s24;
	[sflag:s17] =	ssyncadd.s32 $0xFFFFD800  }
0xbc: {  	[tilespmem:s26], [sflag:$0x1] =	stream.linear.gather [hbm4b:s9+s3], $0x50, $0x38;
	[tilespmem:$0x1E300] =	vst v63  }
0xbd: {  	s9 =	sadd.s32 s5, s24  }
0xbe: {  	[tilespmem:s28], [sflag:$0x1] =	stream.linear.gather [hbm4b:s9+s3], $0x50, $0x38;
	[tilespmem:$0x1E300] =	vst v63  }
0xbf: {  	_ =	swait.ge [sflag:s29], $0x50  }
0xc0: {  	[sflag:s29] =	ssyncset.done $0x0  }
0xc1: {  	[sflag:s29] =	ssyncadd.s32 $0xFFFFFFB0  }
0xc2: {  	_ =	swait.ge [sflag:s29], $0x50  }
0xc3: {  	[sflag:s29] =	ssyncset.done $0x0  }
0xc4: {  	[sflag:s29] =	ssyncadd.s32 $0xFFFFFFB0  }
0xc5: {  	[tilespmem:s31], [sflag:$0x4] =	stream.indirect.gather [hbm4b:s4+s30], $0x80, s26, s30, $0xb8;
	[tilespmem:$0x1E300] =	vst v63  }
0xc6: {  	_ =	swait.ge [sflag:s18], $0x2800  }
0xc7: {  	[sflag:s18] =	ssyncset.done $0x0  }
0xc8: {  	[sflag:s18] =	ssyncadd.s32 $0xFFFFD800  }
0xc9: {  	[spmem:s1] =	stream.indirect.scatter.add.f32 [tilespmem:s15], [sflag:$0x9], $0x80, s13, s30, $0xb8;
	[tilespmem:$0x1E300] =	vst v63  }
0xca: {  	v1 =	vld [tilespmem:$0x14280];
	_ =	sdelay $0x7  }
0xcb: {  	[tilespmem:v1+s10+$0x0] =	vst.idx.add.f32.msk $0xffff, v0  }
0xcc: {  	v1 =	vld [tilespmem:$0x14290];
	_ =	sdelay $0x7  }
0xcd: {  	[tilespmem:v1+s10+$0x0] =	vst.idx.add.f32.msk $0xffff, v0  }
0xce: {  	v1 =	vld [tilespmem:$0x142A0];
	_ =	sdelay $0x7  }
0xcf: {  	[tilespmem:v1+s10+$0x0] =	vst.idx.add.f32.msk $0xffff, v0  }
0xd0: {  	v1 =	vld [tilespmem:$0x142B0];
	_ =	sdelay $0x7  }
0xd1: {  	[tilespmem:v1+s10+$0x0] =	vst.idx.add.f32.msk $0xffff, v0  }
0xd2: {  	v1 =	vld [tilespmem:$0x142C0];
	_ =	sdelay $0x7  }
0xd3: {  	[tilespmem:v1+s10+$0x0] =	vst.idx.add.f32.msk $0xffff, v0  }
0xd4: {  	_ =	swait.ge [sflag:s19], $0x2800  }
0xd5: {  	[sflag:s19] =	ssyncset.done $0x0  }
0xd6: {  	s9 =	sadd.s32 s22, s23;
	[sflag:s19] =	ssyncadd.s32 $0xFFFFD800  }
0xd7: {  	[tilespmem:s0], [sflag:$0x2] =	stream.linear.gather [hbm4b:s9+s3], $0x50, $0x38;
	[tilespmem:$0x1E300] =	vst v63  }
0xd8: {  	s9 =	sadd.s32 s5, s23  }
0xd9: {  	[tilespmem:s2], [sflag:$0x2] =	stream.linear.gather [hbm4b:s9+s3], $0x50, $0x38;
	[tilespmem:$0x1E300] =	vst v63  }
0xda: {  	_ =	swait.ge [sflag:s7], $0x50  }
0xdb: {  	p0 =	sne.s32 s6, $0x1;
	[sflag:s7] =	ssyncset.done $0x0  }
.Ltmp0:
0xdc: {  	[sflag:s7] =	ssyncadd.s32 $0xFFFFFFB0;
	(pc) =	sbr.rel @p0 .LBB2_2-.Ltmp0, $4  }
0xdd: {  	_ =	swait.ge [sflag:s7], $0x50  }
0xde: {  	s6 =	sadd.s32 $0xFFFFFFFF, s6;
	[sflag:s7] =	ssyncset.done $0x0  }
0xdf: {  	s22 =	sadd.s32 $0x1E, s22;
	s5 =	sadd.s32 $0x1E, s5;
	[sflag:s7] =	ssyncadd.s32 $0xFFFFFFB0  }
0xe0: {  	[tilespmem:s8], [sflag:$0x5] =	stream.indirect.gather [hbm4b:s4+s30], $0x80, s0, s30, $0xb8;
	[tilespmem:$0x1E300] =	vst v63  }
0xe1: {  	_ =	swait.ge [sflag:s11], $0x2800  }
0xe2: {  	[sflag:s11] =	ssyncset.done $0x0  }
0xe3: {  	[sflag:s11] =	ssyncadd.s32 $0xFFFFD800  }
0xe4: {  	[spmem:s1] =	stream.indirect.scatter.add.f32 [tilespmem:s31], [sflag:$0x7], $0x80, s28, s30, $0xb8;
	[tilespmem:$0x1E300] =	vst v63  }
0xe5: {  	v1 =	vld [tilespmem:$0x14180];
	_ =	sdelay $0x7  }
0xe6: {  	[tilespmem:v1+s10+$0x0] =	vst.idx.add.f32.msk $0xffff, v0  }
0xe7: {  	v1 =	vld [tilespmem:$0x14190];
	_ =	sdelay $0x7  }
0xe8: {  	[tilespmem:v1+s10+$0x0] =	vst.idx.add.f32.msk $0xffff, v0  }
0xe9: {  	v1 =	vld [tilespmem:$0x141A0];
	_ =	sdelay $0x7  }
0xea: {  	[tilespmem:v1+s10+$0x0] =	vst.idx.add.f32.msk $0xffff, v0  }
0xeb: {  	v1 =	vld [tilespmem:$0x141B0];
	_ =	sdelay $0x7  }
0xec: {  	[tilespmem:v1+s10+$0x0] =	vst.idx.add.f32.msk $0xffff, v0  }
0xed: {  	v1 =	vld [tilespmem:$0x141C0];
	_ =	sdelay $0x7  }
0xee: {  	[tilespmem:v1+s10+$0x0] =	vst.idx.add.f32.msk $0xffff, v0  }
0xef: {  	_ =	swait.ge [sflag:s16], $0x2800  }
0xf0: {  	[sflag:s16] =	ssyncset.done $0x0  }
0xf1: {  	[sflag:s16] =	ssyncadd.s32 $0xFFFFD800  }
0xf2: {  	[spmem:s1] =	stream.indirect.scatter.add.f32 [tilespmem:s8], [sflag:$0x8], $0x80, s2, s30, $0xb8;
	[tilespmem:$0x1E300] =	vst v63  }
0xf3: {  	v1 =	vld [tilespmem:$0x14200];
	_ =	sdelay $0x7  }
0xf4: {  	[tilespmem:v1+s10+$0x0] =	vst.idx.add.f32.msk $0xffff, v0  }
0xf5: {  	v1 =	vld [tilespmem:$0x14210];
	_ =	sdelay $0x7  }
0xf6: {  	[tilespmem:v1+s10+$0x0] =	vst.idx.add.f32.msk $0xffff, v0  }
0xf7: {  	v1 =	vld [tilespmem:$0x14220];
	_ =	sdelay $0x7  }
0xf8: {  	[tilespmem:v1+s10+$0x0] =	vst.idx.add.f32.msk $0xffff, v0  }
0xf9: {  	v1 =	vld [tilespmem:$0x14230];
	_ =	sdelay $0x7  }
0xfa: {  	[tilespmem:v1+s10+$0x0] =	vst.idx.add.f32.msk $0xffff, v0  }
0xfb: {  	v1 =	vld [tilespmem:$0x14240];
	_ =	sdelay $0x7  }
0xfc: {  	[tilespmem:v1+s10+$0x0] =	vst.idx.add.f32.msk $0xffff, v0  }
0xfd: {  	_ =	swait.ge [sflag:s17], $0x2800  }
0xfe: {  	[sflag:s17] =	ssyncset.done $0x0  }
0xff: {  	[sflag:s17] =	ssyncadd.s32 $0xFFFFD800  }
0x100: {  	_ =	swait.ge [sflag:s19], $0x2800  }
0x101: {  	[sflag:s19] =	ssyncset.done $0x0  }
0x102: {  	[sflag:s19] =	ssyncadd.s32 $0xFFFFD800  }
0x103: {  	_ =	swait.ge [sflag:s20], $0x2800  }
0x104: {  	[sflag:s20] =	ssyncset.done $0x0  }
0x105: {  	[sflag:s20] =	ssyncadd.s32 $0xFFFFD800  }
0x106: {  	[bflag:$0x0] =	sbarrier.arrive $0xFFFF  }
0x107: {  	s5 =	rddreg [dreg:$0x13]  }
0x108: {  	s6 =	rddreg [dreg:$0x16]  }
0x109: {  	s9 =	rddreg [dreg:$0x17]  }
0x10a: {  	[hbm:s5], [sflag:s6] =	dma.local [spmem:s9], $0x2800  }
0x10b: {  	s6 =	simm.s32 $0xA  }
0x10c: {  	_ =	swait.ge [sflag:s6], $0x2800  }
0x10d: {  	[sflag:s6] =	ssyncset.done $0x0  }
0x10e: {  	s9 =	rddreg [dreg:$0x14];
	[sflag:s6] =	ssyncadd.s32 $0xFFFFD800  }
0x10f: {  	[hbm4b:s9+s3] =	stream.linear.scatter [tilespmem:s10], [sflag:$0xA], $0x2800, $0x38;
	[tilespmem:$0x1E300] =	vst v63  }
0x110: {  	_ =	swait.ge [sflag:s6], $0x2800  }
0x111: {  	s21 =	sadd.s32 $0x1, s21;
	s22 =	rddreg [dreg:$0x15]  }
0x112: {  	p0 =	sne.s32 s21, s22  }
.Ltmp1:
0x113: {  	_ = 	snop;
	(pc) =	sbr.rel @p0 .LBB2_1-.Ltmp1, $3  }
0x114: {  	_ =	sdelay $0x1  }
0x115: {  	[sflag:s6] =	ssyncset.done $0x0  }
0x116: {  	[sflag:s6] =	ssyncadd.s32 $0xFFFFD800  }
0x117: {  	_ =	sfence.sel $0x180000  }
0x118: {  	[bflag:$0x0] =	sbarrier.arrive $0xFFFF  }
0x119: {  	_ =	strace $0x90000047  }
0x11a: {  	s0 =	stileid.u32;
	[bflag:$0x2] =	sbarrier.arrive $0xFFFF  }
0x11b: {  	p0 =	sne.s32 s0, $0x0;
	s0 =	rddreg [dreg:$0x3]  }
0x11c: {  	s0 =	sadd.s32 @!p0 $0x100000, s0  }
0x11d: {  	[sflag:s0] =	ssyncadd.tile.s32 @!p0 $0x1;
	_ =	shalt  }
.Lfunc_end2:
_tile_overlayer_lowered:
.L_overlay_start_2:
0x11e: {  	(tag) =	ssettag $0x2  }
0x11f: {  	s0 =	rddreg [dreg:$0x0];
	s2 =	stileid.u32  }
0x120: {  	s1 =	rddreg [dreg:$0x1];
	p0 =	sne.s32 s2, $0x0  }
0x121: {  	s3 =	rddreg [dreg:$0x2];
	[bflag:$0x3] =	sbarrier.arrive $0xFFFF;
	s2 =	simm.s32 @!p0 $0x1C0A  }
0x122: {  	[timem:s3], [sflag:s2] =	dma.local @!p0 [hbm:s0], s1  }
0x123: {  	s0 =	simm.s32 @!p0 $0xA  }
0x124: {  	_ =	swait.ge @!p0 [sflag:s0], s1  }
0x125: {  	s1 =	ssub.s32 @!p0 $0x0, s1;
	[sflag:s0] =	ssyncset.done @!p0 $0x0  }
0x126: {  	[sflag:s0] =	ssyncadd.s32 @!p0 s1  }
0x127: {  	[bflag:$0x3] =	sbarrier.arrive $0xFFFF  }
0x128: {  	_ =	shalt  }

</sc_bundles>
